<compile_context>
chip_gen: v7x
topology: tpu7x:2x2x1
jax: 0.10.2.dev20260603
libtpu: 0.0.44.dev20260713+nightly
codegen_flags: <defaults>
</compile_context>

<pallas_src>
import jax
import jax.numpy as jnp
from jax import lax
from jax.experimental import pallas as pl
from jax.experimental.pallas import tpu as pltpu
from jax.experimental.pallas import tpu_sc as plsc

B = 128
K = 8
LOCAL_E = 8
H = 2048
HQ = H // 4
I = 1024
IT = 512
NI = I // IT

_L = 16
_NCHUNK = B // _L


def _dispatch_body(ids_hbm, scl_hbm, act_hbm, w_hbm, ids_v, scl_v, act_v, w_v):
    wid = lax.axis_index("s") * 2 + lax.axis_index("c")

    @pl.when(wid < _NCHUNK)
    def _():
        base = wid * _L
        pltpu.sync_copy(ids_hbm.at[pl.ds(wid * K * _L, K * _L)], ids_v)
        pltpu.sync_copy(scl_hbm.at[pl.ds(wid * K * _L, K * _L)], scl_v)
        pltpu.sync_copy(act_hbm.at[pl.ds(base, _L)], act_v)
        actv = act_v[...]
        for e in range(LOCAL_E):
            acc = jnp.zeros((_L,), jnp.float32)
            for k in range(K):
                acc = acc + jnp.where(ids_v[pl.ds(k * _L, _L)] == e,
                                      scl_v[pl.ds(k * _L, _L)], 0.0)
            w_v[...] = acc * actv
            pltpu.sync_copy(w_v, w_hbm.at[pl.ds(e * B + base, _L)])


def _sc_dispatch(ids_c, scl_c, act_f):
    mesh = plsc.VectorSubcoreMesh(core_axis_name="c", subcore_axis_name="s")
    return pl.kernel(
        _dispatch_body,
        mesh=mesh,
        out_type=jax.ShapeDtypeStruct((LOCAL_E * B,), jnp.float32),
        scratch_types=[
            pltpu.VMEM((K * _L,), jnp.int32),
            pltpu.VMEM((K * _L,), jnp.float32),
            pltpu.VMEM((_L,), jnp.float32),
            pltpu.VMEM((_L,), jnp.float32),
        ],
    )(ids_c, scl_c, act_f)


def _ffn_body(w_ref, x_ref, smooth_ref,
              w1g0_ref, w1g1_ref, w1g2_ref, w1g3_ref,
              w1u0_ref, w1u1_ref, w1u2_ref, w1u3_ref,
              s1g_ref, s1u_ref,
              w20_ref, w21_ref, w22_ref, w23_ref, s2_ref,
              out_ref):
    e = pl.program_id(0)
    i = pl.program_id(1)

    w_col = w_ref[0]
    xs = x_ref[...] * smooth_ref[0]
    w1g = (w1g0_ref, w1g1_ref, w1g2_ref, w1g3_ref)
    w1u = (w1u0_ref, w1u1_ref, w1u2_ref, w1u3_ref)
    g = s1g_ref[0] * sum(
        jnp.dot(xs[:, q * HQ:(q + 1) * HQ], w1g[q][0],
                preferred_element_type=jnp.float32) for q in range(4))
    u = s1u_ref[0] * sum(
        jnp.dot(xs[:, q * HQ:(q + 1) * HQ], w1u[q][0],
                preferred_element_type=jnp.float32) for q in range(4))
    a = (g * jax.nn.sigmoid(g)) * u

    @pl.when((e == 0) & (i == 0))
    def _():
        out_ref[...] = jnp.zeros_like(out_ref)

    s2 = s2_ref[0]
    w2 = (w20_ref, w21_ref, w22_ref, w23_ref)
    for q in range(4):
        part = jnp.dot(a, w2[q][0], preferred_element_type=jnp.float32)
        sl = slice(q * HQ, (q + 1) * HQ)
        out_ref[:, sl] += part * s2[:, sl] * w_col


def kernel(x, expert_ids, smooth_scales, expert_scales, x_active_mask,
           gmm1_weight, gmm1_weight_scale, gmm2_weight, gmm2_weight_scale):
    ids_c = expert_ids.reshape(_NCHUNK, _L, K).transpose(0, 2, 1).reshape(-1)
    scl_c = expert_scales.reshape(_NCHUNK, _L, K).transpose(0, 2, 1).reshape(-1)
    act_f = x_active_mask.astype(jnp.float32)
    w_tab = _sc_dispatch(ids_c, scl_c, act_f)
    w3 = w_tab.reshape(LOCAL_E, B, 1)

    smooth3 = smooth_scales.reshape(LOCAL_E, 1, H)
    s1_3 = gmm1_weight_scale.reshape(LOCAL_E, 1, 2 * I)
    s2_3 = gmm2_weight_scale.reshape(LOCAL_E, 1, H)

    grid = (LOCAL_E, NI)

    def w1g_spec(q):
        return pl.BlockSpec((1, HQ, IT), lambda e, i, q=q: (e, q, i))

    def w1u_spec(q):
        return pl.BlockSpec((1, HQ, IT), lambda e, i, q=q: (e, q, NI + i))

    def w2_spec(q):
        return pl.BlockSpec((1, IT, HQ), lambda e, i, q=q: (e, i, q))

    out = pl.pallas_call(
        _ffn_body,
        grid=grid,
        in_specs=[
            pl.BlockSpec((1, B, 1), lambda e, i: (e, 0, 0)),
            pl.BlockSpec((B, H), lambda e, i: (0, 0)),
            pl.BlockSpec((1, 1, H), lambda e, i: (e, 0, 0)),
            w1g_spec(0), w1g_spec(1), w1g_spec(2), w1g_spec(3),
            w1u_spec(0), w1u_spec(1), w1u_spec(2), w1u_spec(3),
            pl.BlockSpec((1, 1, IT), lambda e, i: (e, 0, i)),
            pl.BlockSpec((1, 1, IT), lambda e, i: (e, 0, NI + i)),
            w2_spec(0), w2_spec(1), w2_spec(2), w2_spec(3),
            pl.BlockSpec((1, 1, H), lambda e, i: (e, 0, 0)),
        ],
        out_specs=pl.BlockSpec((B, H), lambda e, i: (0, 0)),
        out_shape=jax.ShapeDtypeStruct((B, H), jnp.float32),
        compiler_params=pltpu.CompilerParams(
            dimension_semantics=("arbitrary", "arbitrary"),
        ),
    )(w3, x, smooth3,
      gmm1_weight, gmm1_weight, gmm1_weight, gmm1_weight,
      gmm1_weight, gmm1_weight, gmm1_weight, gmm1_weight,
      s1_3, s1_3,
      gmm2_weight, gmm2_weight, gmm2_weight, gmm2_weight, s2_3)
    return out

# --- scband reference (transcript-rebuilt; emitter-appended) ---
"""Pipeline reference for scband-decode-moe-ops-12343736009237 (READ-ONLY COPY).

The authoritative reference and input builder live on the scoring server;
editing this copy changes nothing except your own understanding.
"""

import jax, jax.numpy as jnp
import numpy as np

B = 128          # decode batch (q_len=1)
K = 8            # top_k
E_TOTAL = 64     # moe_expert_num
EP = 8           # ep_world_size
LOCAL_E = E_TOTAL // EP  # 8 local experts on rank 0
H = 2048         # token_hidden_size
I = 1024         # moe_intermediate_size


def setup_inputs(seed: int = 0) -> dict:
    key = jax.random.key(seed)
    ks = jax.random.split(key, 10)
    x = jax.random.normal(ks[0], (B, H), dtype=jnp.float32)
    expert_ids = jax.random.randint(ks[1], (B, K), 0, E_TOTAL, dtype=jnp.int64 if jax.config.jax_enable_x64 else jnp.int32).astype(jnp.int32)
    smooth_scales = jax.random.uniform(ks[2], (LOCAL_E, H), dtype=jnp.float32, minval=0.9, maxval=1.1)
    expert_scales = jax.random.uniform(ks[3], (B, K), dtype=jnp.float32)
    x_active_mask = jnp.ones((B,), dtype=bool)
    gmm1_weight = jax.random.normal(ks[4], (LOCAL_E, H, 2 * I), dtype=jnp.float32) * 0.02
    gmm1_weight_scale = jax.random.uniform(ks[5], (LOCAL_E, 2 * I), dtype=jnp.float32, minval=0.9, maxval=1.1)
    gmm2_weight = jax.random.normal(ks[6], (LOCAL_E, I, H), dtype=jnp.float32) * 0.02
    gmm2_weight_scale = jax.random.uniform(ks[7], (LOCAL_E, H), dtype=jnp.float32, minval=0.9, maxval=1.1)
    return {
        'x': x,
        'expert_ids': expert_ids,
        'smooth_scales': smooth_scales,
        'expert_scales': expert_scales,
        'x_active_mask': x_active_mask,
        'gmm1_weight': gmm1_weight,
        'gmm1_weight_scale': gmm1_weight_scale,
        'gmm2_weight': gmm2_weight,
        'gmm2_weight_scale': gmm2_weight_scale,
    }


def reference(x, expert_ids, smooth_scales, expert_scales, x_active_mask,
              gmm1_weight, gmm1_weight_scale, gmm2_weight, gmm2_weight_scale):
    # Rank-0 view of the decode MoE op: this rank owns experts [0, LOCAL_E).
    # dispatch: per-expert smooth scaling of tokens (quant smooth in the real kernel)
    xs = x[None, :, :] * smooth_scales[:, None, :]            # [E_loc, B, H]
    # gmm1 (gate+up projection) with per-channel dequant scale
    h = jnp.einsum('etd,edh->eth', xs, gmm1_weight)
    h = h * gmm1_weight_scale[:, None, :]                      # [E_loc, B, 2I]
    gate, up = jnp.split(h, 2, axis=-1)
    act = jax.nn.silu(gate) * up                               # swiglu, [E_loc, B, I]
    # gmm2 (down projection) with per-channel dequant scale
    y = jnp.einsum('eti,eid->etd', act, gmm2_weight)
    y = y * gmm2_weight_scale[:, None, :]                      # [E_loc, B, H]
    # combine: weight by router scales for (token, local expert) pairs, masked by active tokens
    onehot = (expert_ids[None, :, :] == jnp.arange(LOCAL_E)[:, None, None])  # [E_loc, B, K]
    w = jnp.sum(onehot.astype(jnp.float32) * expert_scales[None, :, :]
                * x_active_mask.astype(jnp.float32)[None, :, None], axis=-1)  # [E_loc, B]
    out = jnp.sum(y * w[:, :, None], axis=0)                   # [B, H]
    return out

if __name__ == "__main__":
    import jax
    _d = setup_inputs()
    print(jax.jit(kernel)(*tuple(_d.values())))

</pallas_src>

<mosaic_0001>
#map = affine_map<(d0, d1) -> (0)>
module attributes {stable_mosaic.version = 14 : i64} {
  func.func @_dispatch_body(%arg0: i32, %arg1: i32, %arg2: memref<1024xi32, #tpu.memory_space<hbm>>, %arg3: memref<1024xf32, #tpu.memory_space<hbm>>, %arg4: memref<128xf32, #tpu.memory_space<hbm>>, %arg5: memref<1024xf32, #tpu.memory_space<hbm>>, %arg6: memref<128xi32, #tpu.memory_space<vmem>>, %arg7: memref<128xf32, #tpu.memory_space<vmem>>, %arg8: memref<16xf32, #tpu.memory_space<vmem>>, %arg9: memref<16xf32, #tpu.memory_space<vmem>>) attributes {dimension_semantics = [#tpu.dimension_semantics<core_parallel>, #tpu.dimension_semantics<subcore_parallel>], iteration_bounds = array<i64: 2, 16>, scalar_prefetch = 0 : i64, scratch_operands = 4 : i64, tpu.core_type = #tpu.core_type<sc_vector_subcore>, window_params = [{transform_indices = #map}, {transform_indices = #map}, {transform_indices = #map}, {transform_indices = #map}]} {
    %mul3A = arith.constant 2 : i32
    %mul3A_0 = arith.muli %arg1, %mul3A : i32
    %add3A = arith.addi %mul3A_0, %arg0 : i32
    %lt3A = arith.constant 8 : i32
    %lt3A_1 = arith.cmpi slt, %add3A, %lt3A : i32
    %convert_element_type3A = arith.extui %lt3A_1 : i1 to i32
    %cond3A = arith.constant 0 : i32
    %cond3A_2 = arith.cmpi ne, %convert_element_type3A, %cond3A : i32
    scf.if %cond3A_2 {
      %mul3A_3 = arith.constant 16 : i32
      %mul3A_4 = arith.muli %add3A, %mul3A_3 : i32
      %mul3A_5 = arith.constant 8 : i32
      %mul3A_6 = arith.muli %add3A, %mul3A_5 : i32
      %mul3A_7 = arith.constant 16 : i32
      %mul3A_8 = arith.muli %mul3A_6, %mul3A_7 : i32
      "tpu.region"() ({
        %run_scoped3A = tpu.sem_alloc : memref<!tpu.dma_semaphore, #tpu.memory_space<semaphore_mem>>
        %dma_start3A = tpu.memref_slice %arg2[%mul3A_8] : memref<1024xi32, #tpu.memory_space<hbm>> -> memref<128xi32, #tpu.memory_space<hbm>>
        %dma_start3A_914 = tpu.memref_slice %arg2[%mul3A_8] : memref<1024xi32, #tpu.memory_space<hbm>> -> memref<128xi32, #tpu.memory_space<hbm>>
        tpu.enqueue_dma source(%dma_start3A_914 : memref<128xi32, #tpu.memory_space<hbm>>) target(%arg6 : memref<128xi32, #tpu.memory_space<vmem>>) target_semaphore(%run_scoped3A : memref<!tpu.dma_semaphore, #tpu.memory_space<semaphore_mem>>)
        %dma_wait3A = tpu.memref_slice %arg2[%mul3A_8] : memref<1024xi32, #tpu.memory_space<hbm>> -> memref<128xi32, #tpu.memory_space<hbm>>
        %dma_wait3A_915 = tpu.memref_slice %arg2[%mul3A_8] : memref<1024xi32, #tpu.memory_space<hbm>> -> memref<128xi32, #tpu.memory_space<hbm>>
        tpu.wait_dma2 semaphore(%run_scoped3A : memref<!tpu.dma_semaphore, #tpu.memory_space<semaphore_mem>>) src(%dma_wait3A_915 : memref<128xi32, #tpu.memory_space<hbm>>) dst(%arg6 : memref<128xi32, #tpu.memory_space<vmem>>)
        tpu.yield
      }) : () -> ()
      %mul3A_9 = arith.constant 8 : i32
      %mul3A_10 = arith.muli %add3A, %mul3A_9 : i32
      %mul3A_11 = arith.constant 16 : i32
      %mul3A_12 = arith.muli %mul3A_10, %mul3A_11 : i32
      "tpu.region"() ({
        %run_scoped3A = tpu.sem_alloc : memref<!tpu.dma_semaphore, #tpu.memory_space<semaphore_mem>>
        %dma_start3A = tpu.memref_slice %arg3[%mul3A_12] : memref<1024xf32, #tpu.memory_space<hbm>> -> memref<128xf32, #tpu.memory_space<hbm>>
        %dma_start3A_914 = tpu.memref_slice %arg3[%mul3A_12] : memref<1024xf32, #tpu.memory_space<hbm>> -> memref<128xf32, #tpu.memory_space<hbm>>
        tpu.enqueue_dma source(%dma_start3A_914 : memref<128xf32, #tpu.memory_space<hbm>>) target(%arg7 : memref<128xf32, #tpu.memory_space<vmem>>) target_semaphore(%run_scoped3A : memref<!tpu.dma_semaphore, #tpu.memory_space<semaphore_mem>>)
        %dma_wait3A = tpu.memref_slice %arg3[%mul3A_12] : memref<1024xf32, #tpu.memory_space<hbm>> -> memref<128xf32, #tpu.memory_space<hbm>>
        %dma_wait3A_915 = tpu.memref_slice %arg3[%mul3A_12] : memref<1024xf32, #tpu.memory_space<hbm>> -> memref<128xf32, #tpu.memory_space<hbm>>
        tpu.wait_dma2 semaphore(%run_scoped3A : memref<!tpu.dma_semaphore, #tpu.memory_space<semaphore_mem>>) src(%dma_wait3A_915 : memref<128xf32, #tpu.memory_space<hbm>>) dst(%arg7 : memref<128xf32, #tpu.memory_space<vmem>>)
        tpu.yield
      }) : () -> ()
      "tpu.region"() ({
        %run_scoped3A = tpu.sem_alloc : memref<!tpu.dma_semaphore, #tpu.memory_space<semaphore_mem>>
        %dma_start3A = tpu.memref_slice %arg4[%mul3A_4] : memref<128xf32, #tpu.memory_space<hbm>> -> memref<16xf32, #tpu.memory_space<hbm>>
        %dma_start3A_914 = tpu.memref_slice %arg4[%mul3A_4] : memref<128xf32, #tpu.memory_space<hbm>> -> memref<16xf32, #tpu.memory_space<hbm>>
        tpu.enqueue_dma source(%dma_start3A_914 : memref<16xf32, #tpu.memory_space<hbm>>) target(%arg8 : memref<16xf32, #tpu.memory_space<vmem>>) target_semaphore(%run_scoped3A : memref<!tpu.dma_semaphore, #tpu.memory_space<semaphore_mem>>)
        %dma_wait3A = tpu.memref_slice %arg4[%mul3A_4] : memref<128xf32, #tpu.memory_space<hbm>> -> memref<16xf32, #tpu.memory_space<hbm>>
        %dma_wait3A_915 = tpu.memref_slice %arg4[%mul3A_4] : memref<128xf32, #tpu.memory_space<hbm>> -> memref<16xf32, #tpu.memory_space<hbm>>
        tpu.wait_dma2 semaphore(%run_scoped3A : memref<!tpu.dma_semaphore, #tpu.memory_space<semaphore_mem>>) src(%dma_wait3A_915 : memref<16xf32, #tpu.memory_space<hbm>>) dst(%arg8 : memref<16xf32, #tpu.memory_space<vmem>>)
        tpu.yield
      }) : () -> ()
      %get3A = arith.constant 0 : index
      %get3A_13 = tpu.vector_load %arg8[%get3A] {strides = array<i32>} : memref<16xf32, #tpu.memory_space<vmem>>, vector<16xf32>,
      %get3A_14 = vector.shape_cast %get3A_13 : vector<16xf32> to vector<16xf32>
      %broadcast_in_dim3A = arith.constant 0.000000e+00 : f32
      %broadcast_in_dim3A_15 = vector.broadcast %broadcast_in_dim3A : f32 to vector<16xf32>
      %get3A_16 = arith.constant 0 : index
      %get3A_17 = tpu.vector_load %arg6[%get3A_16] {strides = array<i32>} : memref<128xi32, #tpu.memory_space<vmem>>, vector<16xi32>,
      %get3A_18 = vector.shape_cast %get3A_17 : vector<16xi32> to vector<16xi32>
      %eq3A = arith.constant 0 : i32
      %eq3A_19 = vector.broadcast %eq3A : i32 to vector<16xi32>
      %eq3A_20 = arith.cmpi eq, %get3A_18, %eq3A_19 : vector<16xi32>
      %get3A_21 = arith.constant 0 : index
      %get3A_22 = tpu.vector_load %arg7[%get3A_21] {strides = array<i32>} : memref<128xf32, #tpu.memory_space<vmem>>, vector<16xf32>,
      %get3A_23 = vector.shape_cast %get3A_22 : vector<16xf32> to vector<16xf32>
      %jit3A = arith.constant 0.000000e+00 : f32
      %broadcast_in_dim3A_24 = vector.broadcast %jit3A : f32 to vector<16xf32>
      %select_n3A = arith.select %eq3A_20, %get3A_23, %broadcast_in_dim3A_24 : vector<16xi1>, vector<16xf32>
      %add3A_25 = arith.addf %broadcast_in_dim3A_15, %select_n3A : vector<16xf32>
      %get3A_26 = arith.constant 16 : index
      %get3A_27 = tpu.vector_load %arg6[%get3A_26] {strides = array<i32>} : memref<128xi32, #tpu.memory_space<vmem>>, vector<16xi32>,
      %get3A_28 = vector.shape_cast %get3A_27 : vector<16xi32> to vector<16xi32>
      %eq3A_29 = arith.constant 0 : i32
      %eq3A_30 = vector.broadcast %eq3A_29 : i32 to vector<16xi32>
      %eq3A_31 = arith.cmpi eq, %get3A_28, %eq3A_30 : vector<16xi32>
      %get3A_32 = arith.constant 16 : index
      %get3A_33 = tpu.vector_load %arg7[%get3A_32] {strides = array<i32>} : memref<128xf32, #tpu.memory_space<vmem>>, vector<16xf32>,
      %get3A_34 = vector.shape_cast %get3A_33 : vector<16xf32> to vector<16xf32>
      %jit3A_35 = arith.constant 0.000000e+00 : f32
      %broadcast_in_dim3A_36 = vector.broadcast %jit3A_35 : f32 to vector<16xf32>
      %select_n3A_37 = arith.select %eq3A_31, %get3A_34, %broadcast_in_dim3A_36 : vector<16xi1>, vector<16xf32>
      %add3A_38 = arith.addf %add3A_25, %select_n3A_37 : vector<16xf32>
      %get3A_39 = arith.constant 32 : index
      %get3A_40 = tpu.vector_load %arg6[%get3A_39] {strides = array<i32>} : memref<128xi32, #tpu.memory_space<vmem>>, vector<16xi32>,
      %get3A_41 = vector.shape_cast %get3A_40 : vector<16xi32> to vector<16xi32>
      %eq3A_42 = arith.constant 0 : i32
      %eq3A_43 = vector.broadcast %eq3A_42 : i32 to vector<16xi32>
      %eq3A_44 = arith.cmpi eq, %get3A_41, %eq3A_43 : vector<16xi32>
      %get3A_45 = arith.constant 32 : index
      %get3A_46 = tpu.vector_load %arg7[%get3A_45] {strides = array<i32>} : memref<128xf32, #tpu.memory_space<vmem>>, vector<16xf32>,
      %get3A_47 = vector.shape_cast %get3A_46 : vector<16xf32> to vector<16xf32>
      %jit3A_48 = arith.constant 0.000000e+00 : f32
      %broadcast_in_dim3A_49 = vector.broadcast %jit3A_48 : f32 to vector<16xf32>
      %select_n3A_50 = arith.select %eq3A_44, %get3A_47, %broadcast_in_dim3A_49 : vector<16xi1>, vector<16xf32>
      %add3A_51 = arith.addf %add3A_38, %select_n3A_50 : vector<16xf32>
      %get3A_52 = arith.constant 48 : index
      %get3A_53 = tpu.vector_load %arg6[%get3A_52] {strides = array<i32>} : memref<128xi32, #tpu.memory_space<vmem>>, vector<16xi32>,
      %get3A_54 = vector.shape_cast %get3A_53 : vector<16xi32> to vector<16xi32>
      %eq3A_55 = arith.constant 0 : i32
      %eq3A_56 = vector.broadcast %eq3A_55 : i32 to vector<16xi32>
      %eq3A_57 = arith.cmpi eq, %get3A_54, %eq3A_56 : vector<16xi32>
      %get3A_58 = arith.constant 48 : index
      %get3A_59 = tpu.vector_load %arg7[%get3A_58] {strides = array<i32>} : memref<128xf32, #tpu.memory_space<vmem>>, vector<16xf32>,
      %get3A_60 = vector.shape_cast %get3A_59 : vector<16xf32> to vector<16xf32>
      %jit3A_61 = arith.constant 0.000000e+00 : f32
      %broadcast_in_dim3A_62 = vector.broadcast %jit3A_61 : f32 to vector<16xf32>
      %select_n3A_63 = arith.select %eq3A_57, %get3A_60, %broadcast_in_dim3A_62 : vector<16xi1>, vector<16xf32>
      %add3A_64 = arith.addf %add3A_51, %select_n3A_63 : vector<16xf32>
      %get3A_65 = arith.constant 64 : index
      %get3A_66 = tpu.vector_load %arg6[%get3A_65] {strides = array<i32>} : memref<128xi32, #tpu.memory_space<vmem>>, vector<16xi32>,
      %get3A_67 = vector.shape_cast %get3A_66 : vector<16xi32> to vector<16xi32>
      %eq3A_68 = arith.constant 0 : i32
      %eq3A_69 = vector.broadcast %eq3A_68 : i32 to vector<16xi32>
      %eq3A_70 = arith.cmpi eq, %get3A_67, %eq3A_69 : vector<16xi32>
      %get3A_71 = arith.constant 64 : index
      %get3A_72 = tpu.vector_load %arg7[%get3A_71] {strides = array<i32>} : memref<128xf32, #tpu.memory_space<vmem>>, vector<16xf32>,
      %get3A_73 = vector.shape_cast %get3A_72 : vector<16xf32> to vector<16xf32>
      %jit3A_74 = arith.constant 0.000000e+00 : f32
      %broadcast_in_dim3A_75 = vector.broadcast %jit3A_74 : f32 to vector<16xf32>
      %select_n3A_76 = arith.select %eq3A_70, %get3A_73, %broadcast_in_dim3A_75 : vector<16xi1>, vector<16xf32>
      %add3A_77 = arith.addf %add3A_64, %select_n3A_76 : vector<16xf32>
      %get3A_78 = arith.constant 80 : index
      %get3A_79 = tpu.vector_load %arg6[%get3A_78] {strides = array<i32>} : memref<128xi32, #tpu.memory_space<vmem>>, vector<16xi32>,
      %get3A_80 = vector.shape_cast %get3A_79 : vector<16xi32> to vector<16xi32>
      %eq3A_81 = arith.constant 0 : i32
      %eq3A_82 = vector.broadcast %eq3A_81 : i32 to vector<16xi32>
      %eq3A_83 = arith.cmpi eq, %get3A_80, %eq3A_82 : vector<16xi32>
      %get3A_84 = arith.constant 80 : index
      %get3A_85 = tpu.vector_load %arg7[%get3A_84] {strides = array<i32>} : memref<128xf32, #tpu.memory_space<vmem>>, vector<16xf32>,
      %get3A_86 = vector.shape_cast %get3A_85 : vector<16xf32> to vector<16xf32>
      %jit3A_87 = arith.constant 0.000000e+00 : f32
      %broadcast_in_dim3A_88 = vector.broadcast %jit3A_87 : f32 to vector<16xf32>
      %select_n3A_89 = arith.select %eq3A_83, %get3A_86, %broadcast_in_dim3A_88 : vector<16xi1>, vector<16xf32>
      %add3A_90 = arith.addf %add3A_77, %select_n3A_89 : vector<16xf32>
      %get3A_91 = arith.constant 96 : index
      %get3A_92 = tpu.vector_load %arg6[%get3A_91] {strides = array<i32>} : memref<128xi32, #tpu.memory_space<vmem>>, vector<16xi32>,
      %get3A_93 = vector.shape_cast %get3A_92 : vector<16xi32> to vector<16xi32>
      %eq3A_94 = arith.constant 0 : i32
      %eq3A_95 = vector.broadcast %eq3A_94 : i32 to vector<16xi32>
      %eq3A_96 = arith.cmpi eq, %get3A_93, %eq3A_95 : vector<16xi32>
      %get3A_97 = arith.constant 96 : index
      %get3A_98 = tpu.vector_load %arg7[%get3A_97] {strides = array<i32>} : memref<128xf32, #tpu.memory_space<vmem>>, vector<16xf32>,
      %get3A_99 = vector.shape_cast %get3A_98 : vector<16xf32> to vector<16xf32>
      %jit3A_100 = arith.constant 0.000000e+00 : f32
      %broadcast_in_dim3A_101 = vector.broadcast %jit3A_100 : f32 to vector<16xf32>
      %select_n3A_102 = arith.select %eq3A_96, %get3A_99, %broadcast_in_dim3A_101 : vector<16xi1>, vector<16xf32>
      %add3A_103 = arith.addf %add3A_90, %select_n3A_102 : vector<16xf32>
      %get3A_104 = arith.constant 112 : index
      %get3A_105 = tpu.vector_load %arg6[%get3A_104] {strides = array<i32>} : memref<128xi32, #tpu.memory_space<vmem>>, vector<16xi32>,
      %get3A_106 = vector.shape_cast %get3A_105 : vector<16xi32> to vector<16xi32>
      %eq3A_107 = arith.constant 0 : i32
      %eq3A_108 = vector.broadcast %eq3A_107 : i32 to vector<16xi32>
      %eq3A_109 = arith.cmpi eq, %get3A_106, %eq3A_108 : vector<16xi32>
      %get3A_110 = arith.constant 112 : index
      %get3A_111 = tpu.vector_load %arg7[%get3A_110] {strides = array<i32>} : memref<128xf32, #tpu.memory_space<vmem>>, vector<16xf32>,
      %get3A_112 = vector.shape_cast %get3A_111 : vector<16xf32> to vector<16xf32>
      %jit3A_113 = arith.constant 0.000000e+00 : f32
      %broadcast_in_dim3A_114 = vector.broadcast %jit3A_113 : f32 to vector<16xf32>
      %select_n3A_115 = arith.select %eq3A_109, %get3A_112, %broadcast_in_dim3A_114 : vector<16xi1>, vector<16xf32>
      %add3A_116 = arith.addf %add3A_103, %select_n3A_115 : vector<16xf32>
      %mul3A_117 = arith.mulf %add3A_116, %get3A_14 : vector<16xf32>
      %swap3A = arith.constant 0 : index
      %swap3A_118 = tpu.vector_load %arg9[%swap3A] {strides = array<i32>} : memref<16xf32, #tpu.memory_space<vmem>>, vector<16xf32>,
      %swap3A_119 = vector.shape_cast %swap3A_118 : vector<16xf32> to vector<16xf32>
      %swap3A_120 = vector.shape_cast %mul3A_117 : vector<16xf32> to vector<16xf32>
      tpu.vector_store %arg9[%swap3A], %swap3A_120 {strides = array<i32>} : memref<16xf32, #tpu.memory_space<vmem>>, vector<16xf32>,
      %add3A_121 = arith.constant 0 : i32
      %add3A_122 = arith.addi %add3A_121, %mul3A_4 : i32
      "tpu.region"() ({
        %run_scoped3A = tpu.sem_alloc : memref<!tpu.dma_semaphore, #tpu.memory_space<semaphore_mem>>
        %dma_start3A = tpu.memref_slice %arg5[%add3A_122] : memref<1024xf32, #tpu.memory_space<hbm>> -> memref<16xf32, #tpu.memory_space<hbm>>
        %dma_start3A_914 = tpu.memref_slice %arg5[%add3A_122] : memref<1024xf32, #tpu.memory_space<hbm>> -> memref<16xf32, #tpu.memory_space<hbm>>
        tpu.enqueue_dma source(%arg9 : memref<16xf32, #tpu.memory_space<vmem>>) target(%dma_start3A_914 : memref<16xf32, #tpu.memory_space<hbm>>) target_semaphore(%run_scoped3A : memref<!tpu.dma_semaphore, #tpu.memory_space<semaphore_mem>>)
        %dma_wait3A = tpu.memref_slice %arg5[%add3A_122] : memref<1024xf32, #tpu.memory_space<hbm>> -> memref<16xf32, #tpu.memory_space<hbm>>
        %dma_wait3A_915 = tpu.memref_slice %arg5[%add3A_122] : memref<1024xf32, #tpu.memory_space<hbm>> -> memref<16xf32, #tpu.memory_space<hbm>>
        tpu.wait_dma2 semaphore(%run_scoped3A : memref<!tpu.dma_semaphore, #tpu.memory_space<semaphore_mem>>) src(%arg9 : memref<16xf32, #tpu.memory_space<vmem>>) dst(%dma_wait3A_915 : memref<16xf32, #tpu.memory_space<hbm>>)
        tpu.yield
      }) : () -> ()
      %broadcast_in_dim3A_123 = arith.constant 0.000000e+00 : f32
      %broadcast_in_dim3A_124 = vector.broadcast %broadcast_in_dim3A_123 : f32 to vector<16xf32>
      %get3A_125 = arith.constant 0 : index
      %get3A_126 = tpu.vector_load %arg6[%get3A_125] {strides = array<i32>} : memref<128xi32, #tpu.memory_space<vmem>>, vector<16xi32>,
      %get3A_127 = vector.shape_cast %get3A_126 : vector<16xi32> to vector<16xi32>
      %eq3A_128 = arith.constant 1 : i32
      %eq3A_129 = vector.broadcast %eq3A_128 : i32 to vector<16xi32>
      %eq3A_130 = arith.cmpi eq, %get3A_127, %eq3A_129 : vector<16xi32>
      %get3A_131 = arith.constant 0 : index
      %get3A_132 = tpu.vector_load %arg7[%get3A_131] {strides = array<i32>} : memref<128xf32, #tpu.memory_space<vmem>>, vector<16xf32>,
      %get3A_133 = vector.shape_cast %get3A_132 : vector<16xf32> to vector<16xf32>
      %jit3A_134 = arith.constant 0.000000e+00 : f32
      %broadcast_in_dim3A_135 = vector.broadcast %jit3A_134 : f32 to vector<16xf32>
      %select_n3A_136 = arith.select %eq3A_130, %get3A_133, %broadcast_in_dim3A_135 : vector<16xi1>, vector<16xf32>
      %add3A_137 = arith.addf %broadcast_in_dim3A_124, %select_n3A_136 : vector<16xf32>
      %get3A_138 = arith.constant 16 : index
      %get3A_139 = tpu.vector_load %arg6[%get3A_138] {strides = array<i32>} : memref<128xi32, #tpu.memory_space<vmem>>, vector<16xi32>,
      %get3A_140 = vector.shape_cast %get3A_139 : vector<16xi32> to vector<16xi32>
      %eq3A_141 = arith.constant 1 : i32
      %eq3A_142 = vector.broadcast %eq3A_141 : i32 to vector<16xi32>
      %eq3A_143 = arith.cmpi eq, %get3A_140, %eq3A_142 : vector<16xi32>
      %get3A_144 = arith.constant 16 : index
      %get3A_145 = tpu.vector_load %arg7[%get3A_144] {strides = array<i32>} : memref<128xf32, #tpu.memory_space<vmem>>, vector<16xf32>,
      %get3A_146 = vector.shape_cast %get3A_145 : vector<16xf32> to vector<16xf32>
      %jit3A_147 = arith.constant 0.000000e+00 : f32
      %broadcast_in_dim3A_148 = vector.broadcast %jit3A_147 : f32 to vector<16xf32>
      %select_n3A_149 = arith.select %eq3A_143, %get3A_146, %broadcast_in_dim3A_148 : vector<16xi1>, vector<16xf32>
      %add3A_150 = arith.addf %add3A_137, %select_n3A_149 : vector<16xf32>
      %get3A_151 = arith.constant 32 : index
      %get3A_152 = tpu.vector_load %arg6[%get3A_151] {strides = array<i32>} : memref<128xi32, #tpu.memory_space<vmem>>, vector<16xi32>,
      %get3A_153 = vector.shape_cast %get3A_152 : vector<16xi32> to vector<16xi32>
      %eq3A_154 = arith.constant 1 : i32
      %eq3A_155 = vector.broadcast %eq3A_154 : i32 to vector<16xi32>
      %eq3A_156 = arith.cmpi eq, %get3A_153, %eq3A_155 : vector<16xi32>
      %get3A_157 = arith.constant 32 : index
      %get3A_158 = tpu.vector_load %arg7[%get3A_157] {strides = array<i32>} : memref<128xf32, #tpu.memory_space<vmem>>, vector<16xf32>,
      %get3A_159 = vector.shape_cast %get3A_158 : vector<16xf32> to vector<16xf32>
      %jit3A_160 = arith.constant 0.000000e+00 : f32
      %broadcast_in_dim3A_161 = vector.broadcast %jit3A_160 : f32 to vector<16xf32>
      %select_n3A_162 = arith.select %eq3A_156, %get3A_159, %broadcast_in_dim3A_161 : vector<16xi1>, vector<16xf32>
      %add3A_163 = arith.addf %add3A_150, %select_n3A_162 : vector<16xf32>
      %get3A_164 = arith.constant 48 : index
      %get3A_165 = tpu.vector_load %arg6[%get3A_164] {strides = array<i32>} : memref<128xi32, #tpu.memory_space<vmem>>, vector<16xi32>,
      %get3A_166 = vector.shape_cast %get3A_165 : vector<16xi32> to vector<16xi32>
      %eq3A_167 = arith.constant 1 : i32
      %eq3A_168 = vector.broadcast %eq3A_167 : i32 to vector<16xi32>
      %eq3A_169 = arith.cmpi eq, %get3A_166, %eq3A_168 : vector<16xi32>
      %get3A_170 = arith.constant 48 : index
      %get3A_171 = tpu.vector_load %arg7[%get3A_170] {strides = array<i32>} : memref<128xf32, #tpu.memory_space<vmem>>, vector<16xf32>,
      %get3A_172 = vector.shape_cast %get3A_171 : vector<16xf32> to vector<16xf32>
      %jit3A_173 = arith.constant 0.000000e+00 : f32
      %broadcast_in_dim3A_174 = vector.broadcast %jit3A_173 : f32 to vector<16xf32>
      %select_n3A_175 = arith.select %eq3A_169, %get3A_172, %broadcast_in_dim3A_174 : vector<16xi1>, vector<16xf32>
      %add3A_176 = arith.addf %add3A_163, %select_n3A_175 : vector<16xf32>
      %get3A_177 = arith.constant 64 : index
      %get3A_178 = tpu.vector_load %arg6[%get3A_177] {strides = array<i32>} : memref<128xi32, #tpu.memory_space<vmem>>, vector<16xi32>,
      %get3A_179 = vector.shape_cast %get3A_178 : vector<16xi32> to vector<16xi32>
      %eq3A_180 = arith.constant 1 : i32
      %eq3A_181 = vector.broadcast %eq3A_180 : i32 to vector<16xi32>
      %eq3A_182 = arith.cmpi eq, %get3A_179, %eq3A_181 : vector<16xi32>
      %get3A_183 = arith.constant 64 : index
      %get3A_184 = tpu.vector_load %arg7[%get3A_183] {strides = array<i32>} : memref<128xf32, #tpu.memory_space<vmem>>, vector<16xf32>,
      %get3A_185 = vector.shape_cast %get3A_184 : vector<16xf32> to vector<16xf32>
      %jit3A_186 = arith.constant 0.000000e+00 : f32
      %broadcast_in_dim3A_187 = vector.broadcast %jit3A_186 : f32 to vector<16xf32>
      %select_n3A_188 = arith.select %eq3A_182, %get3A_185, %broadcast_in_dim3A_187 : vector<16xi1>, vector<16xf32>
      %add3A_189 = arith.addf %add3A_176, %select_n3A_188 : vector<16xf32>
      %get3A_190 = arith.constant 80 : index
      %get3A_191 = tpu.vector_load %arg6[%get3A_190] {strides = array<i32>} : memref<128xi32, #tpu.memory_space<vmem>>, vector<16xi32>,
      %get3A_192 = vector.shape_cast %get3A_191 : vector<16xi32> to vector<16xi32>
      %eq3A_193 = arith.constant 1 : i32
      %eq3A_194 = vector.broadcast %eq3A_193 : i32 to vector<16xi32>
      %eq3A_195 = arith.cmpi eq, %get3A_192, %eq3A_194 : vector<16xi32>
      %get3A_196 = arith.constant 80 : index
      %get3A_197 = tpu.vector_load %arg7[%get3A_196] {strides = array<i32>} : memref<128xf32, #tpu.memory_space<vmem>>, vector<16xf32>,
      %get3A_198 = vector.shape_cast %get3A_197 : vector<16xf32> to vector<16xf32>
      %jit3A_199 = arith.constant 0.000000e+00 : f32
      %broadcast_in_dim3A_200 = vector.broadcast %jit3A_199 : f32 to vector<16xf32>
      %select_n3A_201 = arith.select %eq3A_195, %get3A_198, %broadcast_in_dim3A_200 : vector<16xi1>, vector<16xf32>
      %add3A_202 = arith.addf %add3A_189, %select_n3A_201 : vector<16xf32>
      %get3A_203 = arith.constant 96 : index
      %get3A_204 = tpu.vector_load %arg6[%get3A_203] {strides = array<i32>} : memref<128xi32, #tpu.memory_space<vmem>>, vector<16xi32>,
      %get3A_205 = vector.shape_cast %get3A_204 : vector<16xi32> to vector<16xi32>
      %eq3A_206 = arith.constant 1 : i32
      %eq3A_207 = vector.broadcast %eq3A_206 : i32 to vector<16xi32>
      %eq3A_208 = arith.cmpi eq, %get3A_205, %eq3A_207 : vector<16xi32>
      %get3A_209 = arith.constant 96 : index
      %get3A_210 = tpu.vector_load %arg7[%get3A_209] {strides = array<i32>} : memref<128xf32, #tpu.memory_space<vmem>>, vector<16xf32>,
      %get3A_211 = vector.shape_cast %get3A_210 : vector<16xf32> to vector<16xf32>
      %jit3A_212 = arith.constant 0.000000e+00 : f32
      %broadcast_in_dim3A_213 = vector.broadcast %jit3A_212 : f32 to vector<16xf32>
      %select_n3A_214 = arith.select %eq3A_208, %get3A_211, %broadcast_in_dim3A_213 : vector<16xi1>, vector<16xf32>
      %add3A_215 = arith.addf %add3A_202, %select_n3A_214 : vector<16xf32>
      %get3A_216 = arith.constant 112 : index
      %get3A_217 = tpu.vector_load %arg6[%get3A_216] {strides = array<i32>} : memref<128xi32, #tpu.memory_space<vmem>>, vector<16xi32>,
      %get3A_218 = vector.shape_cast %get3A_217 : vector<16xi32> to vector<16xi32>
      %eq3A_219 = arith.constant 1 : i32
      %eq3A_220 = vector.broadcast %eq3A_219 : i32 to vector<16xi32>
      %eq3A_221 = arith.cmpi eq, %get3A_218, %eq3A_220 : vector<16xi32>
      %get3A_222 = arith.constant 112 : index
      %get3A_223 = tpu.vector_load %arg7[%get3A_222] {strides = array<i32>} : memref<128xf32, #tpu.memory_space<vmem>>, vector<16xf32>,
      %get3A_224 = vector.shape_cast %get3A_223 : vector<16xf32> to vector<16xf32>
      %jit3A_225 = arith.constant 0.000000e+00 : f32
      %broadcast_in_dim3A_226 = vector.broadcast %jit3A_225 : f32 to vector<16xf32>
      %select_n3A_227 = arith.select %eq3A_221, %get3A_224, %broadcast_in_dim3A_226 : vector<16xi1>, vector<16xf32>
      %add3A_228 = arith.addf %add3A_215, %select_n3A_227 : vector<16xf32>
      %mul3A_229 = arith.mulf %add3A_228, %get3A_14 : vector<16xf32>
      %swap3A_230 = arith.constant 0 : index
      %swap3A_231 = tpu.vector_load %arg9[%swap3A_230] {strides = array<i32>} : memref<16xf32, #tpu.memory_space<vmem>>, vector<16xf32>,
      %swap3A_232 = vector.shape_cast %swap3A_231 : vector<16xf32> to vector<16xf32>
      %swap3A_233 = vector.shape_cast %mul3A_229 : vector<16xf32> to vector<16xf32>
      tpu.vector_store %arg9[%swap3A_230], %swap3A_233 {strides = array<i32>} : memref<16xf32, #tpu.memory_space<vmem>>, vector<16xf32>,
      %add3A_234 = arith.constant 128 : i32
      %add3A_235 = arith.addi %add3A_234, %mul3A_4 : i32
      "tpu.region"() ({
        %run_scoped3A = tpu.sem_alloc : memref<!tpu.dma_semaphore, #tpu.memory_space<semaphore_mem>>
        %dma_start3A = tpu.memref_slice %arg5[%add3A_235] : memref<1024xf32, #tpu.memory_space<hbm>> -> memref<16xf32, #tpu.memory_space<hbm>>
        %dma_start3A_914 = tpu.memref_slice %arg5[%add3A_235] : memref<1024xf32, #tpu.memory_space<hbm>> -> memref<16xf32, #tpu.memory_space<hbm>>
        tpu.enqueue_dma source(%arg9 : memref<16xf32, #tpu.memory_space<vmem>>) target(%dma_start3A_914 : memref<16xf32, #tpu.memory_space<hbm>>) target_semaphore(%run_scoped3A : memref<!tpu.dma_semaphore, #tpu.memory_space<semaphore_mem>>)
        %dma_wait3A = tpu.memref_slice %arg5[%add3A_235] : memref<1024xf32, #tpu.memory_space<hbm>> -> memref<16xf32, #tpu.memory_space<hbm>>
        %dma_wait3A_915 = tpu.memref_slice %arg5[%add3A_235] : memref<1024xf32, #tpu.memory_space<hbm>> -> memref<16xf32, #tpu.memory_space<hbm>>
        tpu.wait_dma2 semaphore(%run_scoped3A : memref<!tpu.dma_semaphore, #tpu.memory_space<semaphore_mem>>) src(%arg9 : memref<16xf32, #tpu.memory_space<vmem>>) dst(%dma_wait3A_915 : memref<16xf32, #tpu.memory_space<hbm>>)
        tpu.yield
      }) : () -> ()
      %broadcast_in_dim3A_236 = arith.constant 0.000000e+00 : f32
      %broadcast_in_dim3A_237 = vector.broadcast %broadcast_in_dim3A_236 : f32 to vector<16xf32>
      %get3A_238 = arith.constant 0 : index
      %get3A_239 = tpu.vector_load %arg6[%get3A_238] {strides = array<i32>} : memref<128xi32, #tpu.memory_space<vmem>>, vector<16xi32>,
      %get3A_240 = vector.shape_cast %get3A_239 : vector<16xi32> to vector<16xi32>
      %eq3A_241 = arith.constant 2 : i32
      %eq3A_242 = vector.broadcast %eq3A_241 : i32 to vector<16xi32>
      %eq3A_243 = arith.cmpi eq, %get3A_240, %eq3A_242 : vector<16xi32>
      %get3A_244 = arith.constant 0 : index
      %get3A_245 = tpu.vector_load %arg7[%get3A_244] {strides = array<i32>} : memref<128xf32, #tpu.memory_space<vmem>>, vector<16xf32>,
      %get3A_246 = vector.shape_cast %get3A_245 : vector<16xf32> to vector<16xf32>
      %jit3A_247 = arith.constant 0.000000e+00 : f32
      %broadcast_in_dim3A_248 = vector.broadcast %jit3A_247 : f32 to vector<16xf32>
      %select_n3A_249 = arith.select %eq3A_243, %get3A_246, %broadcast_in_dim3A_248 : vector<16xi1>, vector<16xf32>
      %add3A_250 = arith.addf %broadcast_in_dim3A_237, %select_n3A_249 : vector<16xf32>
      %get3A_251 = arith.constant 16 : index
      %get3A_252 = tpu.vector_load %arg6[%get3A_251] {strides = array<i32>} : memref<128xi32, #tpu.memory_space<vmem>>, vector<16xi32>,
      %get3A_253 = vector.shape_cast %get3A_252 : vector<16xi32> to vector<16xi32>
      %eq3A_254 = arith.constant 2 : i32
      %eq3A_255 = vector.broadcast %eq3A_254 : i32 to vector<16xi32>
      %eq3A_256 = arith.cmpi eq, %get3A_253, %eq3A_255 : vector<16xi32>
      %get3A_257 = arith.constant 16 : index
      %get3A_258 = tpu.vector_load %arg7[%get3A_257] {strides = array<i32>} : memref<128xf32, #tpu.memory_space<vmem>>, vector<16xf32>,
      %get3A_259 = vector.shape_cast %get3A_258 : vector<16xf32> to vector<16xf32>
      %jit3A_260 = arith.constant 0.000000e+00 : f32
      %broadcast_in_dim3A_261 = vector.broadcast %jit3A_260 : f32 to vector<16xf32>
      %select_n3A_262 = arith.select %eq3A_256, %get3A_259, %broadcast_in_dim3A_261 : vector<16xi1>, vector<16xf32>
      %add3A_263 = arith.addf %add3A_250, %select_n3A_262 : vector<16xf32>
      %get3A_264 = arith.constant 32 : index
      %get3A_265 = tpu.vector_load %arg6[%get3A_264] {strides = array<i32>} : memref<128xi32, #tpu.memory_space<vmem>>, vector<16xi32>,
      %get3A_266 = vector.shape_cast %get3A_265 : vector<16xi32> to vector<16xi32>
      %eq3A_267 = arith.constant 2 : i32
      %eq3A_268 = vector.broadcast %eq3A_267 : i32 to vector<16xi32>
      %eq3A_269 = arith.cmpi eq, %get3A_266, %eq3A_268 : vector<16xi32>
      %get3A_270 = arith.constant 32 : index
      %get3A_271 = tpu.vector_load %arg7[%get3A_270] {strides = array<i32>} : memref<128xf32, #tpu.memory_space<vmem>>, vector<16xf32>,
      %get3A_272 = vector.shape_cast %get3A_271 : vector<16xf32> to vector<16xf32>
      %jit3A_273 = arith.constant 0.000000e+00 : f32
      %broadcast_in_dim3A_274 = vector.broadcast %jit3A_273 : f32 to vector<16xf32>
      %select_n3A_275 = arith.select %eq3A_269, %get3A_272, %broadcast_in_dim3A_274 : vector<16xi1>, vector<16xf32>
      %add3A_276 = arith.addf %add3A_263, %select_n3A_275 : vector<16xf32>
      %get3A_277 = arith.constant 48 : index
      %get3A_278 = tpu.vector_load %arg6[%get3A_277] {strides = array<i32>} : memref<128xi32, #tpu.memory_space<vmem>>, vector<16xi32>,
      %get3A_279 = vector.shape_cast %get3A_278 : vector<16xi32> to vector<16xi32>
      %eq3A_280 = arith.constant 2 : i32
      %eq3A_281 = vector.broadcast %eq3A_280 : i32 to vector<16xi32>
      %eq3A_282 = arith.cmpi eq, %get3A_279, %eq3A_281 : vector<16xi32>
      %get3A_283 = arith.constant 48 : index
      %get3A_284 = tpu.vector_load %arg7[%get3A_283] {strides = array<i32>} : memref<128xf32, #tpu.memory_space<vmem>>, vector<16xf32>,
      %get3A_285 = vector.shape_cast %get3A_284 : vector<16xf32> to vector<16xf32>
      %jit3A_286 = arith.constant 0.000000e+00 : f32
      %broadcast_in_dim3A_287 = vector.broadcast %jit3A_286 : f32 to vector<16xf32>
      %select_n3A_288 = arith.select %eq3A_282, %get3A_285, %broadcast_in_dim3A_287 : vector<16xi1>, vector<16xf32>
      %add3A_289 = arith.addf %add3A_276, %select_n3A_288 : vector<16xf32>
      %get3A_290 = arith.constant 64 : index
      %get3A_291 = tpu.vector_load %arg6[%get3A_290] {strides = array<i32>} : memref<128xi32, #tpu.memory_space<vmem>>, vector<16xi32>,
      %get3A_292 = vector.shape_cast %get3A_291 : vector<16xi32> to vector<16xi32>
      %eq3A_293 = arith.constant 2 : i32
      %eq3A_294 = vector.broadcast %eq3A_293 : i32 to vector<16xi32>
      %eq3A_295 = arith.cmpi eq, %get3A_292, %eq3A_294 : vector<16xi32>
      %get3A_296 = arith.constant 64 : index
      %get3A_297 = tpu.vector_load %arg7[%get3A_296] {strides = array<i32>} : memref<128xf32, #tpu.memory_space<vmem>>, vector<16xf32>,
      %get3A_298 = vector.shape_cast %get3A_297 : vector<16xf32> to vector<16xf32>
      %jit3A_299 = arith.constant 0.000000e+00 : f32
      %broadcast_in_dim3A_300 = vector.broadcast %jit3A_299 : f32 to vector<16xf32>
      %select_n3A_301 = arith.select %eq3A_295, %get3A_298, %broadcast_in_dim3A_300 : vector<16xi1>, vector<16xf32>
      %add3A_302 = arith.addf %add3A_289, %select_n3A_301 : vector<16xf32>
      %get3A_303 = arith.constant 80 : index
      %get3A_304 = tpu.vector_load %arg6[%get3A_303] {strides = array<i32>} : memref<128xi32, #tpu.memory_space<vmem>>, vector<16xi32>,
      %get3A_305 = vector.shape_cast %get3A_304 : vector<16xi32> to vector<16xi32>
      %eq3A_306 = arith.constant 2 : i32
      %eq3A_307 = vector.broadcast %eq3A_306 : i32 to vector<16xi32>
      %eq3A_308 = arith.cmpi eq, %get3A_305, %eq3A_307 : vector<16xi32>
      %get3A_309 = arith.constant 80 : index
      %get3A_310 = tpu.vector_load %arg7[%get3A_309] {strides = array<i32>} : memref<128xf32, #tpu.memory_space<vmem>>, vector<16xf32>,
      %get3A_311 = vector.shape_cast %get3A_310 : vector<16xf32> to vector<16xf32>
      %jit3A_312 = arith.constant 0.000000e+00 : f32
      %broadcast_in_dim3A_313 = vector.broadcast %jit3A_312 : f32 to vector<16xf32>
      %select_n3A_314 = arith.select %eq3A_308, %get3A_311, %broadcast_in_dim3A_313 : vector<16xi1>, vector<16xf32>
      %add3A_315 = arith.addf %add3A_302, %select_n3A_314 : vector<16xf32>
      %get3A_316 = arith.constant 96 : index
      %get3A_317 = tpu.vector_load %arg6[%get3A_316] {strides = array<i32>} : memref<128xi32, #tpu.memory_space<vmem>>, vector<16xi32>,
      %get3A_318 = vector.shape_cast %get3A_317 : vector<16xi32> to vector<16xi32>
      %eq3A_319 = arith.constant 2 : i32
      %eq3A_320 = vector.broadcast %eq3A_319 : i32 to vector<16xi32>
      %eq3A_321 = arith.cmpi eq, %get3A_318, %eq3A_320 : vector<16xi32>
      %get3A_322 = arith.constant 96 : index
      %get3A_323 = tpu.vector_load %arg7[%get3A_322] {strides = array<i32>} : memref<128xf32, #tpu.memory_space<vmem>>, vector<16xf32>,
      %get3A_324 = vector.shape_cast %get3A_323 : vector<16xf32> to vector<16xf32>
      %jit3A_325 = arith.constant 0.000000e+00 : f32
      %broadcast_in_dim3A_326 = vector.broadcast %jit3A_325 : f32 to vector<16xf32>
      %select_n3A_327 = arith.select %eq3A_321, %get3A_324, %broadcast_in_dim3A_326 : vector<16xi1>, vector<16xf32>
      %add3A_328 = arith.addf %add3A_315, %select_n3A_327 : vector<16xf32>
      %get3A_329 = arith.constant 112 : index
      %get3A_330 = tpu.vector_load %arg6[%get3A_329] {strides = array<i32>} : memref<128xi32, #tpu.memory_space<vmem>>, vector<16xi32>,
      %get3A_331 = vector.shape_cast %get3A_330 : vector<16xi32> to vector<16xi32>
      %eq3A_332 = arith.constant 2 : i32
      %eq3A_333 = vector.broadcast %eq3A_332 : i32 to vector<16xi32>
      %eq3A_334 = arith.cmpi eq, %get3A_331, %eq3A_333 : vector<16xi32>
      %get3A_335 = arith.constant 112 : index
      %get3A_336 = tpu.vector_load %arg7[%get3A_335] {strides = array<i32>} : memref<128xf32, #tpu.memory_space<vmem>>, vector<16xf32>,
      %get3A_337 = vector.shape_cast %get3A_336 : vector<16xf32> to vector<16xf32>
      %jit3A_338 = arith.constant 0.000000e+00 : f32
      %broadcast_in_dim3A_339 = vector.broadcast %jit3A_338 : f32 to vector<16xf32>
      %select_n3A_340 = arith.select %eq3A_334, %get3A_337, %broadcast_in_dim3A_339 : vector<16xi1>, vector<16xf32>
      %add3A_341 = arith.addf %add3A_328, %select_n3A_340 : vector<16xf32>
      %mul3A_342 = arith.mulf %add3A_341, %get3A_14 : vector<16xf32>
      %swap3A_343 = arith.constant 0 : index
      %swap3A_344 = tpu.vector_load %arg9[%swap3A_343] {strides = array<i32>} : memref<16xf32, #tpu.memory_space<vmem>>, vector<16xf32>,
      %swap3A_345 = vector.shape_cast %swap3A_344 : vector<16xf32> to vector<16xf32>
      %swap3A_346 = vector.shape_cast %mul3A_342 : vector<16xf32> to vector<16xf32>
      tpu.vector_store %arg9[%swap3A_343], %swap3A_346 {strides = array<i32>} : memref<16xf32, #tpu.memory_space<vmem>>, vector<16xf32>,
      %add3A_347 = arith.constant 256 : i32
      %add3A_348 = arith.addi %add3A_347, %mul3A_4 : i32
      "tpu.region"() ({
        %run_scoped3A = tpu.sem_alloc : memref<!tpu.dma_semaphore, #tpu.memory_space<semaphore_mem>>
        %dma_start3A = tpu.memref_slice %arg5[%add3A_348] : memref<1024xf32, #tpu.memory_space<hbm>> -> memref<16xf32, #tpu.memory_space<hbm>>
        %dma_start3A_914 = tpu.memref_slice %arg5[%add3A_348] : memref<1024xf32, #tpu.memory_space<hbm>> -> memref<16xf32, #tpu.memory_space<hbm>>
        tpu.enqueue_dma source(%arg9 : memref<16xf32, #tpu.memory_space<vmem>>) target(%dma_start3A_914 : memref<16xf32, #tpu.memory_space<hbm>>) target_semaphore(%run_scoped3A : memref<!tpu.dma_semaphore, #tpu.memory_space<semaphore_mem>>)
        %dma_wait3A = tpu.memref_slice %arg5[%add3A_348] : memref<1024xf32, #tpu.memory_space<hbm>> -> memref<16xf32, #tpu.memory_space<hbm>>
        %dma_wait3A_915 = tpu.memref_slice %arg5[%add3A_348] : memref<1024xf32, #tpu.memory_space<hbm>> -> memref<16xf32, #tpu.memory_space<hbm>>
        tpu.wait_dma2 semaphore(%run_scoped3A : memref<!tpu.dma_semaphore, #tpu.memory_space<semaphore_mem>>) src(%arg9 : memref<16xf32, #tpu.memory_space<vmem>>) dst(%dma_wait3A_915 : memref<16xf32, #tpu.memory_space<hbm>>)
        tpu.yield
      }) : () -> ()
      %broadcast_in_dim3A_349 = arith.constant 0.000000e+00 : f32
      %broadcast_in_dim3A_350 = vector.broadcast %broadcast_in_dim3A_349 : f32 to vector<16xf32>
      %get3A_351 = arith.constant 0 : index
      %get3A_352 = tpu.vector_load %arg6[%get3A_351] {strides = array<i32>} : memref<128xi32, #tpu.memory_space<vmem>>, vector<16xi32>,
      %get3A_353 = vector.shape_cast %get3A_352 : vector<16xi32> to vector<16xi32>
      %eq3A_354 = arith.constant 3 : i32
      %eq3A_355 = vector.broadcast %eq3A_354 : i32 to vector<16xi32>
      %eq3A_356 = arith.cmpi eq, %get3A_353, %eq3A_355 : vector<16xi32>
      %get3A_357 = arith.constant 0 : index
      %get3A_358 = tpu.vector_load %arg7[%get3A_357] {strides = array<i32>} : memref<128xf32, #tpu.memory_space<vmem>>, vector<16xf32>,
      %get3A_359 = vector.shape_cast %get3A_358 : vector<16xf32> to vector<16xf32>
      %jit3A_360 = arith.constant 0.000000e+00 : f32
      %broadcast_in_dim3A_361 = vector.broadcast %jit3A_360 : f32 to vector<16xf32>
      %select_n3A_362 = arith.select %eq3A_356, %get3A_359, %broadcast_in_dim3A_361 : vector<16xi1>, vector<16xf32>
      %add3A_363 = arith.addf %broadcast_in_dim3A_350, %select_n3A_362 : vector<16xf32>
      %get3A_364 = arith.constant 16 : index
      %get3A_365 = tpu.vector_load %arg6[%get3A_364] {strides = array<i32>} : memref<128xi32, #tpu.memory_space<vmem>>, vector<16xi32>,
      %get3A_366 = vector.shape_cast %get3A_365 : vector<16xi32> to vector<16xi32>
      %eq3A_367 = arith.constant 3 : i32
      %eq3A_368 = vector.broadcast %eq3A_367 : i32 to vector<16xi32>
      %eq3A_369 = arith.cmpi eq, %get3A_366, %eq3A_368 : vector<16xi32>
      %get3A_370 = arith.constant 16 : index
      %get3A_371 = tpu.vector_load %arg7[%get3A_370] {strides = array<i32>} : memref<128xf32, #tpu.memory_space<vmem>>, vector<16xf32>,
      %get3A_372 = vector.shape_cast %get3A_371 : vector<16xf32> to vector<16xf32>
      %jit3A_373 = arith.constant 0.000000e+00 : f32
      %broadcast_in_dim3A_374 = vector.broadcast %jit3A_373 : f32 to vector<16xf32>
      %select_n3A_375 = arith.select %eq3A_369, %get3A_372, %broadcast_in_dim3A_374 : vector<16xi1>, vector<16xf32>
      %add3A_376 = arith.addf %add3A_363, %select_n3A_375 : vector<16xf32>
      %get3A_377 = arith.constant 32 : index
      %get3A_378 = tpu.vector_load %arg6[%get3A_377] {strides = array<i32>} : memref<128xi32, #tpu.memory_space<vmem>>, vector<16xi32>,
      %get3A_379 = vector.shape_cast %get3A_378 : vector<16xi32> to vector<16xi32>
      %eq3A_380 = arith.constant 3 : i32
      %eq3A_381 = vector.broadcast %eq3A_380 : i32 to vector<16xi32>
      %eq3A_382 = arith.cmpi eq, %get3A_379, %eq3A_381 : vector<16xi32>
      %get3A_383 = arith.constant 32 : index
      %get3A_384 = tpu.vector_load %arg7[%get3A_383] {strides = array<i32>} : memref<128xf32, #tpu.memory_space<vmem>>, vector<16xf32>,
      %get3A_385 = vector.shape_cast %get3A_384 : vector<16xf32> to vector<16xf32>
      %jit3A_386 = arith.constant 0.000000e+00 : f32
      %broadcast_in_dim3A_387 = vector.broadcast %jit3A_386 : f32 to vector<16xf32>
      %select_n3A_388 = arith.select %eq3A_382, %get3A_385, %broadcast_in_dim3A_387 : vector<16xi1>, vector<16xf32>
      %add3A_389 = arith.addf %add3A_376, %select_n3A_388 : vector<16xf32>
      %get3A_390 = arith.constant 48 : index
      %get3A_391 = tpu.vector_load %arg6[%get3A_390] {strides = array<i32>} : memref<128xi32, #tpu.memory_space<vmem>>, vector<16xi32>,
      %get3A_392 = vector.shape_cast %get3A_391 : vector<16xi32> to vector<16xi32>
      %eq3A_393 = arith.constant 3 : i32
      %eq3A_394 = vector.broadcast %eq3A_393 : i32 to vector<16xi32>
      %eq3A_395 = arith.cmpi eq, %get3A_392, %eq3A_394 : vector<16xi32>
      %get3A_396 = arith.constant 48 : index
      %get3A_397 = tpu.vector_load %arg7[%get3A_396] {strides = array<i32>} : memref<128xf32, #tpu.memory_space<vmem>>, vector<16xf32>,
      %get3A_398 = vector.shape_cast %get3A_397 : vector<16xf32> to vector<16xf32>
      %jit3A_399 = arith.constant 0.000000e+00 : f32
      %broadcast_in_dim3A_400 = vector.broadcast %jit3A_399 : f32 to vector<16xf32>
      %select_n3A_401 = arith.select %eq3A_395, %get3A_398, %broadcast_in_dim3A_400 : vector<16xi1>, vector<16xf32>
      %add3A_402 = arith.addf %add3A_389, %select_n3A_401 : vector<16xf32>
      %get3A_403 = arith.constant 64 : index
      %get3A_404 = tpu.vector_load %arg6[%get3A_403] {strides = array<i32>} : memref<128xi32, #tpu.memory_space<vmem>>, vector<16xi32>,
      %get3A_405 = vector.shape_cast %get3A_404 : vector<16xi32> to vector<16xi32>
      %eq3A_406 = arith.constant 3 : i32
      %eq3A_407 = vector.broadcast %eq3A_406 : i32 to vector<16xi32>
      %eq3A_408 = arith.cmpi eq, %get3A_405, %eq3A_407 : vector<16xi32>
      %get3A_409 = arith.constant 64 : index
      %get3A_410 = tpu.vector_load %arg7[%get3A_409] {strides = array<i32>} : memref<128xf32, #tpu.memory_space<vmem>>, vector<16xf32>,
      %get3A_411 = vector.shape_cast %get3A_410 : vector<16xf32> to vector<16xf32>
      %jit3A_412 = arith.constant 0.000000e+00 : f32
      %broadcast_in_dim3A_413 = vector.broadcast %jit3A_412 : f32 to vector<16xf32>
      %select_n3A_414 = arith.select %eq3A_408, %get3A_411, %broadcast_in_dim3A_413 : vector<16xi1>, vector<16xf32>
      %add3A_415 = arith.addf %add3A_402, %select_n3A_414 : vector<16xf32>
      %get3A_416 = arith.constant 80 : index
      %get3A_417 = tpu.vector_load %arg6[%get3A_416] {strides = array<i32>} : memref<128xi32, #tpu.memory_space<vmem>>, vector<16xi32>,
      %get3A_418 = vector.shape_cast %get3A_417 : vector<16xi32> to vector<16xi32>
      %eq3A_419 = arith.constant 3 : i32
      %eq3A_420 = vector.broadcast %eq3A_419 : i32 to vector<16xi32>
      %eq3A_421 = arith.cmpi eq, %get3A_418, %eq3A_420 : vector<16xi32>
      %get3A_422 = arith.constant 80 : index
      %get3A_423 = tpu.vector_load %arg7[%get3A_422] {strides = array<i32>} : memref<128xf32, #tpu.memory_space<vmem>>, vector<16xf32>,
      %get3A_424 = vector.shape_cast %get3A_423 : vector<16xf32> to vector<16xf32>
      %jit3A_425 = arith.constant 0.000000e+00 : f32
      %broadcast_in_dim3A_426 = vector.broadcast %jit3A_425 : f32 to vector<16xf32>
      %select_n3A_427 = arith.select %eq3A_421, %get3A_424, %broadcast_in_dim3A_426 : vector<16xi1>, vector<16xf32>
      %add3A_428 = arith.addf %add3A_415, %select_n3A_427 : vector<16xf32>
      %get3A_429 = arith.constant 96 : index
      %get3A_430 = tpu.vector_load %arg6[%get3A_429] {strides = array<i32>} : memref<128xi32, #tpu.memory_space<vmem>>, vector<16xi32>,
      %get3A_431 = vector.shape_cast %get3A_430 : vector<16xi32> to vector<16xi32>
      %eq3A_432 = arith.constant 3 : i32
      %eq3A_433 = vector.broadcast %eq3A_432 : i32 to vector<16xi32>
      %eq3A_434 = arith.cmpi eq, %get3A_431, %eq3A_433 : vector<16xi32>
      %get3A_435 = arith.constant 96 : index
      %get3A_436 = tpu.vector_load %arg7[%get3A_435] {strides = array<i32>} : memref<128xf32, #tpu.memory_space<vmem>>, vector<16xf32>,
      %get3A_437 = vector.shape_cast %get3A_436 : vector<16xf32> to vector<16xf32>
      %jit3A_438 = arith.constant 0.000000e+00 : f32
      %broadcast_in_dim3A_439 = vector.broadcast %jit3A_438 : f32 to vector<16xf32>
      %select_n3A_440 = arith.select %eq3A_434, %get3A_437, %broadcast_in_dim3A_439 : vector<16xi1>, vector<16xf32>
      %add3A_441 = arith.addf %add3A_428, %select_n3A_440 : vector<16xf32>
      %get3A_442 = arith.constant 112 : index
      %get3A_443 = tpu.vector_load %arg6[%get3A_442] {strides = array<i32>} : memref<128xi32, #tpu.memory_space<vmem>>, vector<16xi32>,
      %get3A_444 = vector.shape_cast %get3A_443 : vector<16xi32> to vector<16xi32>
      %eq3A_445 = arith.constant 3 : i32
      %eq3A_446 = vector.broadcast %eq3A_445 : i32 to vector<16xi32>
      %eq3A_447 = arith.cmpi eq, %get3A_444, %eq3A_446 : vector<16xi32>
      %get3A_448 = arith.constant 112 : index
      %get3A_449 = tpu.vector_load %arg7[%get3A_448] {strides = array<i32>} : memref<128xf32, #tpu.memory_space<vmem>>, vector<16xf32>,
      %get3A_450 = vector.shape_cast %get3A_449 : vector<16xf32> to vector<16xf32>
      %jit3A_451 = arith.constant 0.000000e+00 : f32
      %broadcast_in_dim3A_452 = vector.broadcast %jit3A_451 : f32 to vector<16xf32>
      %select_n3A_453 = arith.select %eq3A_447, %get3A_450, %broadcast_in_dim3A_452 : vector<16xi1>, vector<16xf32>
      %add3A_454 = arith.addf %add3A_441, %select_n3A_453 : vector<16xf32>
      %mul3A_455 = arith.mulf %add3A_454, %get3A_14 : vector<16xf32>
      %swap3A_456 = arith.constant 0 : index
      %swap3A_457 = tpu.vector_load %arg9[%swap3A_456] {strides = array<i32>} : memref<16xf32, #tpu.memory_space<vmem>>, vector<16xf32>,
      %swap3A_458 = vector.shape_cast %swap3A_457 : vector<16xf32> to vector<16xf32>
      %swap3A_459 = vector.shape_cast %mul3A_455 : vector<16xf32> to vector<16xf32>
      tpu.vector_store %arg9[%swap3A_456], %swap3A_459 {strides = array<i32>} : memref<16xf32, #tpu.memory_space<vmem>>, vector<16xf32>,
      %add3A_460 = arith.constant 384 : i32
      %add3A_461 = arith.addi %add3A_460, %mul3A_4 : i32
      "tpu.region"() ({
        %run_scoped3A = tpu.sem_alloc : memref<!tpu.dma_semaphore, #tpu.memory_space<semaphore_mem>>
        %dma_start3A = tpu.memref_slice %arg5[%add3A_461] : memref<1024xf32, #tpu.memory_space<hbm>> -> memref<16xf32, #tpu.memory_space<hbm>>
        %dma_start3A_914 = tpu.memref_slice %arg5[%add3A_461] : memref<1024xf32, #tpu.memory_space<hbm>> -> memref<16xf32, #tpu.memory_space<hbm>>
        tpu.enqueue_dma source(%arg9 : memref<16xf32, #tpu.memory_space<vmem>>) target(%dma_start3A_914 : memref<16xf32, #tpu.memory_space<hbm>>) target_semaphore(%run_scoped3A : memref<!tpu.dma_semaphore, #tpu.memory_space<semaphore_mem>>)
        %dma_wait3A = tpu.memref_slice %arg5[%add3A_461] : memref<1024xf32, #tpu.memory_space<hbm>> -> memref<16xf32, #tpu.memory_space<hbm>>
        %dma_wait3A_915 = tpu.memref_slice %arg5[%add3A_461] : memref<1024xf32, #tpu.memory_space<hbm>> -> memref<16xf32, #tpu.memory_space<hbm>>
        tpu.wait_dma2 semaphore(%run_scoped3A : memref<!tpu.dma_semaphore, #tpu.memory_space<semaphore_mem>>) src(%arg9 : memref<16xf32, #tpu.memory_space<vmem>>) dst(%dma_wait3A_915 : memref<16xf32, #tpu.memory_space<hbm>>)
        tpu.yield
      }) : () -> ()
      %broadcast_in_dim3A_462 = arith.constant 0.000000e+00 : f32
      %broadcast_in_dim3A_463 = vector.broadcast %broadcast_in_dim3A_462 : f32 to vector<16xf32>
      %get3A_464 = arith.constant 0 : index
      %get3A_465 = tpu.vector_load %arg6[%get3A_464] {strides = array<i32>} : memref<128xi32, #tpu.memory_space<vmem>>, vector<16xi32>,
      %get3A_466 = vector.shape_cast %get3A_465 : vector<16xi32> to vector<16xi32>
      %eq3A_467 = arith.constant 4 : i32
      %eq3A_468 = vector.broadcast %eq3A_467 : i32 to vector<16xi32>
      %eq3A_469 = arith.cmpi eq, %get3A_466, %eq3A_468 : vector<16xi32>
      %get3A_470 = arith.constant 0 : index
      %get3A_471 = tpu.vector_load %arg7[%get3A_470] {strides = array<i32>} : memref<128xf32, #tpu.memory_space<vmem>>, vector<16xf32>,
      %get3A_472 = vector.shape_cast %get3A_471 : vector<16xf32> to vector<16xf32>
      %jit3A_473 = arith.constant 0.000000e+00 : f32
      %broadcast_in_dim3A_474 = vector.broadcast %jit3A_473 : f32 to vector<16xf32>
      %select_n3A_475 = arith.select %eq3A_469, %get3A_472, %broadcast_in_dim3A_474 : vector<16xi1>, vector<16xf32>
      %add3A_476 = arith.addf %broadcast_in_dim3A_463, %select_n3A_475 : vector<16xf32>
      %get3A_477 = arith.constant 16 : index
      %get3A_478 = tpu.vector_load %arg6[%get3A_477] {strides = array<i32>} : memref<128xi32, #tpu.memory_space<vmem>>, vector<16xi32>,
      %get3A_479 = vector.shape_cast %get3A_478 : vector<16xi32> to vector<16xi32>
      %eq3A_480 = arith.constant 4 : i32
      %eq3A_481 = vector.broadcast %eq3A_480 : i32 to vector<16xi32>
      %eq3A_482 = arith.cmpi eq, %get3A_479, %eq3A_481 : vector<16xi32>
      %get3A_483 = arith.constant 16 : index
      %get3A_484 = tpu.vector_load %arg7[%get3A_483] {strides = array<i32>} : memref<128xf32, #tpu.memory_space<vmem>>, vector<16xf32>,
      %get3A_485 = vector.shape_cast %get3A_484 : vector<16xf32> to vector<16xf32>
      %jit3A_486 = arith.constant 0.000000e+00 : f32
      %broadcast_in_dim3A_487 = vector.broadcast %jit3A_486 : f32 to vector<16xf32>
      %select_n3A_488 = arith.select %eq3A_482, %get3A_485, %broadcast_in_dim3A_487 : vector<16xi1>, vector<16xf32>
      %add3A_489 = arith.addf %add3A_476, %select_n3A_488 : vector<16xf32>
      %get3A_490 = arith.constant 32 : index
      %get3A_491 = tpu.vector_load %arg6[%get3A_490] {strides = array<i32>} : memref<128xi32, #tpu.memory_space<vmem>>, vector<16xi32>,
      %get3A_492 = vector.shape_cast %get3A_491 : vector<16xi32> to vector<16xi32>
      %eq3A_493 = arith.constant 4 : i32
      %eq3A_494 = vector.broadcast %eq3A_493 : i32 to vector<16xi32>
      %eq3A_495 = arith.cmpi eq, %get3A_492, %eq3A_494 : vector<16xi32>
      %get3A_496 = arith.constant 32 : index
      %get3A_497 = tpu.vector_load %arg7[%get3A_496] {strides = array<i32>} : memref<128xf32, #tpu.memory_space<vmem>>, vector<16xf32>,
      %get3A_498 = vector.shape_cast %get3A_497 : vector<16xf32> to vector<16xf32>
      %jit3A_499 = arith.constant 0.000000e+00 : f32
      %broadcast_in_dim3A_500 = vector.broadcast %jit3A_499 : f32 to vector<16xf32>
      %select_n3A_501 = arith.select %eq3A_495, %get3A_498, %broadcast_in_dim3A_500 : vector<16xi1>, vector<16xf32>
      %add3A_502 = arith.addf %add3A_489, %select_n3A_501 : vector<16xf32>
      %get3A_503 = arith.constant 48 : index
      %get3A_504 = tpu.vector_load %arg6[%get3A_503] {strides = array<i32>} : memref<128xi32, #tpu.memory_space<vmem>>, vector<16xi32>,
      %get3A_505 = vector.shape_cast %get3A_504 : vector<16xi32> to vector<16xi32>
      %eq3A_506 = arith.constant 4 : i32
      %eq3A_507 = vector.broadcast %eq3A_506 : i32 to vector<16xi32>
      %eq3A_508 = arith.cmpi eq, %get3A_505, %eq3A_507 : vector<16xi32>
      %get3A_509 = arith.constant 48 : index
      %get3A_510 = tpu.vector_load %arg7[%get3A_509] {strides = array<i32>} : memref<128xf32, #tpu.memory_space<vmem>>, vector<16xf32>,
      %get3A_511 = vector.shape_cast %get3A_510 : vector<16xf32> to vector<16xf32>
      %jit3A_512 = arith.constant 0.000000e+00 : f32
      %broadcast_in_dim3A_513 = vector.broadcast %jit3A_512 : f32 to vector<16xf32>
      %select_n3A_514 = arith.select %eq3A_508, %get3A_511, %broadcast_in_dim3A_513 : vector<16xi1>, vector<16xf32>
      %add3A_515 = arith.addf %add3A_502, %select_n3A_514 : vector<16xf32>
      %get3A_516 = arith.constant 64 : index
      %get3A_517 = tpu.vector_load %arg6[%get3A_516] {strides = array<i32>} : memref<128xi32, #tpu.memory_space<vmem>>, vector<16xi32>,
      %get3A_518 = vector.shape_cast %get3A_517 : vector<16xi32> to vector<16xi32>
      %eq3A_519 = arith.constant 4 : i32
      %eq3A_520 = vector.broadcast %eq3A_519 : i32 to vector<16xi32>
      %eq3A_521 = arith.cmpi eq, %get3A_518, %eq3A_520 : vector<16xi32>
      %get3A_522 = arith.constant 64 : index
      %get3A_523 = tpu.vector_load %arg7[%get3A_522] {strides = array<i32>} : memref<128xf32, #tpu.memory_space<vmem>>, vector<16xf32>,
      %get3A_524 = vector.shape_cast %get3A_523 : vector<16xf32> to vector<16xf32>
      %jit3A_525 = arith.constant 0.000000e+00 : f32
      %broadcast_in_dim3A_526 = vector.broadcast %jit3A_525 : f32 to vector<16xf32>
      %select_n3A_527 = arith.select %eq3A_521, %get3A_524, %broadcast_in_dim3A_526 : vector<16xi1>, vector<16xf32>
      %add3A_528 = arith.addf %add3A_515, %select_n3A_527 : vector<16xf32>
      %get3A_529 = arith.constant 80 : index
      %get3A_530 = tpu.vector_load %arg6[%get3A_529] {strides = array<i32>} : memref<128xi32, #tpu.memory_space<vmem>>, vector<16xi32>,
      %get3A_531 = vector.shape_cast %get3A_530 : vector<16xi32> to vector<16xi32>
      %eq3A_532 = arith.constant 4 : i32
      %eq3A_533 = vector.broadcast %eq3A_532 : i32 to vector<16xi32>
      %eq3A_534 = arith.cmpi eq, %get3A_531, %eq3A_533 : vector<16xi32>
      %get3A_535 = arith.constant 80 : index
      %get3A_536 = tpu.vector_load %arg7[%get3A_535] {strides = array<i32>} : memref<128xf32, #tpu.memory_space<vmem>>, vector<16xf32>,
      %get3A_537 = vector.shape_cast %get3A_536 : vector<16xf32> to vector<16xf32>
      %jit3A_538 = arith.constant 0.000000e+00 : f32
      %broadcast_in_dim3A_539 = vector.broadcast %jit3A_538 : f32 to vector<16xf32>
      %select_n3A_540 = arith.select %eq3A_534, %get3A_537, %broadcast_in_dim3A_539 : vector<16xi1>, vector<16xf32>
      %add3A_541 = arith.addf %add3A_528, %select_n3A_540 : vector<16xf32>
      %get3A_542 = arith.constant 96 : index
      %get3A_543 = tpu.vector_load %arg6[%get3A_542] {strides = array<i32>} : memref<128xi32, #tpu.memory_space<vmem>>, vector<16xi32>,
      %get3A_544 = vector.shape_cast %get3A_543 : vector<16xi32> to vector<16xi32>
      %eq3A_545 = arith.constant 4 : i32
      %eq3A_546 = vector.broadcast %eq3A_545 : i32 to vector<16xi32>
      %eq3A_547 = arith.cmpi eq, %get3A_544, %eq3A_546 : vector<16xi32>
      %get3A_548 = arith.constant 96 : index
      %get3A_549 = tpu.vector_load %arg7[%get3A_548] {strides = array<i32>} : memref<128xf32, #tpu.memory_space<vmem>>, vector<16xf32>,
      %get3A_550 = vector.shape_cast %get3A_549 : vector<16xf32> to vector<16xf32>
      %jit3A_551 = arith.constant 0.000000e+00 : f32
      %broadcast_in_dim3A_552 = vector.broadcast %jit3A_551 : f32 to vector<16xf32>
      %select_n3A_553 = arith.select %eq3A_547, %get3A_550, %broadcast_in_dim3A_552 : vector<16xi1>, vector<16xf32>
      %add3A_554 = arith.addf %add3A_541, %select_n3A_553 : vector<16xf32>
      %get3A_555 = arith.constant 112 : index
      %get3A_556 = tpu.vector_load %arg6[%get3A_555] {strides = array<i32>} : memref<128xi32, #tpu.memory_space<vmem>>, vector<16xi32>,
      %get3A_557 = vector.shape_cast %get3A_556 : vector<16xi32> to vector<16xi32>
      %eq3A_558 = arith.constant 4 : i32
      %eq3A_559 = vector.broadcast %eq3A_558 : i32 to vector<16xi32>
      %eq3A_560 = arith.cmpi eq, %get3A_557, %eq3A_559 : vector<16xi32>
      %get3A_561 = arith.constant 112 : index
      %get3A_562 = tpu.vector_load %arg7[%get3A_561] {strides = array<i32>} : memref<128xf32, #tpu.memory_space<vmem>>, vector<16xf32>,
      %get3A_563 = vector.shape_cast %get3A_562 : vector<16xf32> to vector<16xf32>
      %jit3A_564 = arith.constant 0.000000e+00 : f32
      %broadcast_in_dim3A_565 = vector.broadcast %jit3A_564 : f32 to vector<16xf32>
      %select_n3A_566 = arith.select %eq3A_560, %get3A_563, %broadcast_in_dim3A_565 : vector<16xi1>, vector<16xf32>
      %add3A_567 = arith.addf %add3A_554, %select_n3A_566 : vector<16xf32>
      %mul3A_568 = arith.mulf %add3A_567, %get3A_14 : vector<16xf32>
      %swap3A_569 = arith.constant 0 : index
      %swap3A_570 = tpu.vector_load %arg9[%swap3A_569] {strides = array<i32>} : memref<16xf32, #tpu.memory_space<vmem>>, vector<16xf32>,
      %swap3A_571 = vector.shape_cast %swap3A_570 : vector<16xf32> to vector<16xf32>
      %swap3A_572 = vector.shape_cast %mul3A_568 : vector<16xf32> to vector<16xf32>
      tpu.vector_store %arg9[%swap3A_569], %swap3A_572 {strides = array<i32>} : memref<16xf32, #tpu.memory_space<vmem>>, vector<16xf32>,
      %add3A_573 = arith.constant 512 : i32
      %add3A_574 = arith.addi %add3A_573, %mul3A_4 : i32
      "tpu.region"() ({
        %run_scoped3A = tpu.sem_alloc : memref<!tpu.dma_semaphore, #tpu.memory_space<semaphore_mem>>
        %dma_start3A = tpu.memref_slice %arg5[%add3A_574] : memref<1024xf32, #tpu.memory_space<hbm>> -> memref<16xf32, #tpu.memory_space<hbm>>
        %dma_start3A_914 = tpu.memref_slice %arg5[%add3A_574] : memref<1024xf32, #tpu.memory_space<hbm>> -> memref<16xf32, #tpu.memory_space<hbm>>
        tpu.enqueue_dma source(%arg9 : memref<16xf32, #tpu.memory_space<vmem>>) target(%dma_start3A_914 : memref<16xf32, #tpu.memory_space<hbm>>) target_semaphore(%run_scoped3A : memref<!tpu.dma_semaphore, #tpu.memory_space<semaphore_mem>>)
        %dma_wait3A = tpu.memref_slice %arg5[%add3A_574] : memref<1024xf32, #tpu.memory_space<hbm>> -> memref<16xf32, #tpu.memory_space<hbm>>
        %dma_wait3A_915 = tpu.memref_slice %arg5[%add3A_574] : memref<1024xf32, #tpu.memory_space<hbm>> -> memref<16xf32, #tpu.memory_space<hbm>>
        tpu.wait_dma2 semaphore(%run_scoped3A : memref<!tpu.dma_semaphore, #tpu.memory_space<semaphore_mem>>) src(%arg9 : memref<16xf32, #tpu.memory_space<vmem>>) dst(%dma_wait3A_915 : memref<16xf32, #tpu.memory_space<hbm>>)
        tpu.yield
      }) : () -> ()
      %broadcast_in_dim3A_575 = arith.constant 0.000000e+00 : f32
      %broadcast_in_dim3A_576 = vector.broadcast %broadcast_in_dim3A_575 : f32 to vector<16xf32>
      %get3A_577 = arith.constant 0 : index
      %get3A_578 = tpu.vector_load %arg6[%get3A_577] {strides = array<i32>} : memref<128xi32, #tpu.memory_space<vmem>>, vector<16xi32>,
      %get3A_579 = vector.shape_cast %get3A_578 : vector<16xi32> to vector<16xi32>
      %eq3A_580 = arith.constant 5 : i32
      %eq3A_581 = vector.broadcast %eq3A_580 : i32 to vector<16xi32>
      %eq3A_582 = arith.cmpi eq, %get3A_579, %eq3A_581 : vector<16xi32>
      %get3A_583 = arith.constant 0 : index
      %get3A_584 = tpu.vector_load %arg7[%get3A_583] {strides = array<i32>} : memref<128xf32, #tpu.memory_space<vmem>>, vector<16xf32>,
      %get3A_585 = vector.shape_cast %get3A_584 : vector<16xf32> to vector<16xf32>
      %jit3A_586 = arith.constant 0.000000e+00 : f32
      %broadcast_in_dim3A_587 = vector.broadcast %jit3A_586 : f32 to vector<16xf32>
      %select_n3A_588 = arith.select %eq3A_582, %get3A_585, %broadcast_in_dim3A_587 : vector<16xi1>, vector<16xf32>
      %add3A_589 = arith.addf %broadcast_in_dim3A_576, %select_n3A_588 : vector<16xf32>
      %get3A_590 = arith.constant 16 : index
      %get3A_591 = tpu.vector_load %arg6[%get3A_590] {strides = array<i32>} : memref<128xi32, #tpu.memory_space<vmem>>, vector<16xi32>,
      %get3A_592 = vector.shape_cast %get3A_591 : vector<16xi32> to vector<16xi32>
      %eq3A_593 = arith.constant 5 : i32
      %eq3A_594 = vector.broadcast %eq3A_593 : i32 to vector<16xi32>
      %eq3A_595 = arith.cmpi eq, %get3A_592, %eq3A_594 : vector<16xi32>
      %get3A_596 = arith.constant 16 : index
      %get3A_597 = tpu.vector_load %arg7[%get3A_596] {strides = array<i32>} : memref<128xf32, #tpu.memory_space<vmem>>, vector<16xf32>,
      %get3A_598 = vector.shape_cast %get3A_597 : vector<16xf32> to vector<16xf32>
      %jit3A_599 = arith.constant 0.000000e+00 : f32
      %broadcast_in_dim3A_600 = vector.broadcast %jit3A_599 : f32 to vector<16xf32>
      %select_n3A_601 = arith.select %eq3A_595, %get3A_598, %broadcast_in_dim3A_600 : vector<16xi1>, vector<16xf32>
      %add3A_602 = arith.addf %add3A_589, %select_n3A_601 : vector<16xf32>
      %get3A_603 = arith.constant 32 : index
      %get3A_604 = tpu.vector_load %arg6[%get3A_603] {strides = array<i32>} : memref<128xi32, #tpu.memory_space<vmem>>, vector<16xi32>,
      %get3A_605 = vector.shape_cast %get3A_604 : vector<16xi32> to vector<16xi32>
      %eq3A_606 = arith.constant 5 : i32
      %eq3A_607 = vector.broadcast %eq3A_606 : i32 to vector<16xi32>
      %eq3A_608 = arith.cmpi eq, %get3A_605, %eq3A_607 : vector<16xi32>
      %get3A_609 = arith.constant 32 : index
      %get3A_610 = tpu.vector_load %arg7[%get3A_609] {strides = array<i32>} : memref<128xf32, #tpu.memory_space<vmem>>, vector<16xf32>,
      %get3A_611 = vector.shape_cast %get3A_610 : vector<16xf32> to vector<16xf32>
      %jit3A_612 = arith.constant 0.000000e+00 : f32
      %broadcast_in_dim3A_613 = vector.broadcast %jit3A_612 : f32 to vector<16xf32>
      %select_n3A_614 = arith.select %eq3A_608, %get3A_611, %broadcast_in_dim3A_613 : vector<16xi1>, vector<16xf32>
      %add3A_615 = arith.addf %add3A_602, %select_n3A_614 : vector<16xf32>
      %get3A_616 = arith.constant 48 : index
      %get3A_617 = tpu.vector_load %arg6[%get3A_616] {strides = array<i32>} : memref<128xi32, #tpu.memory_space<vmem>>, vector<16xi32>,
      %get3A_618 = vector.shape_cast %get3A_617 : vector<16xi32> to vector<16xi32>
      %eq3A_619 = arith.constant 5 : i32
      %eq3A_620 = vector.broadcast %eq3A_619 : i32 to vector<16xi32>
      %eq3A_621 = arith.cmpi eq, %get3A_618, %eq3A_620 : vector<16xi32>
      %get3A_622 = arith.constant 48 : index
      %get3A_623 = tpu.vector_load %arg7[%get3A_622] {strides = array<i32>} : memref<128xf32, #tpu.memory_space<vmem>>, vector<16xf32>,
      %get3A_624 = vector.shape_cast %get3A_623 : vector<16xf32> to vector<16xf32>
      %jit3A_625 = arith.constant 0.000000e+00 : f32
      %broadcast_in_dim3A_626 = vector.broadcast %jit3A_625 : f32 to vector<16xf32>
      %select_n3A_627 = arith.select %eq3A_621, %get3A_624, %broadcast_in_dim3A_626 : vector<16xi1>, vector<16xf32>
      %add3A_628 = arith.addf %add3A_615, %select_n3A_627 : vector<16xf32>
      %get3A_629 = arith.constant 64 : index
      %get3A_630 = tpu.vector_load %arg6[%get3A_629] {strides = array<i32>} : memref<128xi32, #tpu.memory_space<vmem>>, vector<16xi32>,
      %get3A_631 = vector.shape_cast %get3A_630 : vector<16xi32> to vector<16xi32>
      %eq3A_632 = arith.constant 5 : i32
      %eq3A_633 = vector.broadcast %eq3A_632 : i32 to vector<16xi32>
      %eq3A_634 = arith.cmpi eq, %get3A_631, %eq3A_633 : vector<16xi32>
      %get3A_635 = arith.constant 64 : index
      %get3A_636 = tpu.vector_load %arg7[%get3A_635] {strides = array<i32>} : memref<128xf32, #tpu.memory_space<vmem>>, vector<16xf32>,
      %get3A_637 = vector.shape_cast %get3A_636 : vector<16xf32> to vector<16xf32>
      %jit3A_638 = arith.constant 0.000000e+00 : f32
      %broadcast_in_dim3A_639 = vector.broadcast %jit3A_638 : f32 to vector<16xf32>
      %select_n3A_640 = arith.select %eq3A_634, %get3A_637, %broadcast_in_dim3A_639 : vector<16xi1>, vector<16xf32>
      %add3A_641 = arith.addf %add3A_628, %select_n3A_640 : vector<16xf32>
      %get3A_642 = arith.constant 80 : index
      %get3A_643 = tpu.vector_load %arg6[%get3A_642] {strides = array<i32>} : memref<128xi32, #tpu.memory_space<vmem>>, vector<16xi32>,
      %get3A_644 = vector.shape_cast %get3A_643 : vector<16xi32> to vector<16xi32>
      %eq3A_645 = arith.constant 5 : i32
      %eq3A_646 = vector.broadcast %eq3A_645 : i32 to vector<16xi32>
      %eq3A_647 = arith.cmpi eq, %get3A_644, %eq3A_646 : vector<16xi32>
      %get3A_648 = arith.constant 80 : index
      %get3A_649 = tpu.vector_load %arg7[%get3A_648] {strides = array<i32>} : memref<128xf32, #tpu.memory_space<vmem>>, vector<16xf32>,
      %get3A_650 = vector.shape_cast %get3A_649 : vector<16xf32> to vector<16xf32>
      %jit3A_651 = arith.constant 0.000000e+00 : f32
      %broadcast_in_dim3A_652 = vector.broadcast %jit3A_651 : f32 to vector<16xf32>
      %select_n3A_653 = arith.select %eq3A_647, %get3A_650, %broadcast_in_dim3A_652 : vector<16xi1>, vector<16xf32>
      %add3A_654 = arith.addf %add3A_641, %select_n3A_653 : vector<16xf32>
      %get3A_655 = arith.constant 96 : index
      %get3A_656 = tpu.vector_load %arg6[%get3A_655] {strides = array<i32>} : memref<128xi32, #tpu.memory_space<vmem>>, vector<16xi32>,
      %get3A_657 = vector.shape_cast %get3A_656 : vector<16xi32> to vector<16xi32>
      %eq3A_658 = arith.constant 5 : i32
      %eq3A_659 = vector.broadcast %eq3A_658 : i32 to vector<16xi32>
      %eq3A_660 = arith.cmpi eq, %get3A_657, %eq3A_659 : vector<16xi32>
      %get3A_661 = arith.constant 96 : index
      %get3A_662 = tpu.vector_load %arg7[%get3A_661] {strides = array<i32>} : memref<128xf32, #tpu.memory_space<vmem>>, vector<16xf32>,
      %get3A_663 = vector.shape_cast %get3A_662 : vector<16xf32> to vector<16xf32>
      %jit3A_664 = arith.constant 0.000000e+00 : f32
      %broadcast_in_dim3A_665 = vector.broadcast %jit3A_664 : f32 to vector<16xf32>
      %select_n3A_666 = arith.select %eq3A_660, %get3A_663, %broadcast_in_dim3A_665 : vector<16xi1>, vector<16xf32>
      %add3A_667 = arith.addf %add3A_654, %select_n3A_666 : vector<16xf32>
      %get3A_668 = arith.constant 112 : index
      %get3A_669 = tpu.vector_load %arg6[%get3A_668] {strides = array<i32>} : memref<128xi32, #tpu.memory_space<vmem>>, vector<16xi32>,
      %get3A_670 = vector.shape_cast %get3A_669 : vector<16xi32> to vector<16xi32>
      %eq3A_671 = arith.constant 5 : i32
      %eq3A_672 = vector.broadcast %eq3A_671 : i32 to vector<16xi32>
      %eq3A_673 = arith.cmpi eq, %get3A_670, %eq3A_672 : vector<16xi32>
      %get3A_674 = arith.constant 112 : index
      %get3A_675 = tpu.vector_load %arg7[%get3A_674] {strides = array<i32>} : memref<128xf32, #tpu.memory_space<vmem>>, vector<16xf32>,
      %get3A_676 = vector.shape_cast %get3A_675 : vector<16xf32> to vector<16xf32>
      %jit3A_677 = arith.constant 0.000000e+00 : f32
      %broadcast_in_dim3A_678 = vector.broadcast %jit3A_677 : f32 to vector<16xf32>
      %select_n3A_679 = arith.select %eq3A_673, %get3A_676, %broadcast_in_dim3A_678 : vector<16xi1>, vector<16xf32>
      %add3A_680 = arith.addf %add3A_667, %select_n3A_679 : vector<16xf32>
      %mul3A_681 = arith.mulf %add3A_680, %get3A_14 : vector<16xf32>
      %swap3A_682 = arith.constant 0 : index
      %swap3A_683 = tpu.vector_load %arg9[%swap3A_682] {strides = array<i32>} : memref<16xf32, #tpu.memory_space<vmem>>, vector<16xf32>,
      %swap3A_684 = vector.shape_cast %swap3A_683 : vector<16xf32> to vector<16xf32>
      %swap3A_685 = vector.shape_cast %mul3A_681 : vector<16xf32> to vector<16xf32>
      tpu.vector_store %arg9[%swap3A_682], %swap3A_685 {strides = array<i32>} : memref<16xf32, #tpu.memory_space<vmem>>, vector<16xf32>,
      %add3A_686 = arith.constant 640 : i32
      %add3A_687 = arith.addi %add3A_686, %mul3A_4 : i32
      "tpu.region"() ({
        %run_scoped3A = tpu.sem_alloc : memref<!tpu.dma_semaphore, #tpu.memory_space<semaphore_mem>>
        %dma_start3A = tpu.memref_slice %arg5[%add3A_687] : memref<1024xf32, #tpu.memory_space<hbm>> -> memref<16xf32, #tpu.memory_space<hbm>>
        %dma_start3A_914 = tpu.memref_slice %arg5[%add3A_687] : memref<1024xf32, #tpu.memory_space<hbm>> -> memref<16xf32, #tpu.memory_space<hbm>>
        tpu.enqueue_dma source(%arg9 : memref<16xf32, #tpu.memory_space<vmem>>) target(%dma_start3A_914 : memref<16xf32, #tpu.memory_space<hbm>>) target_semaphore(%run_scoped3A : memref<!tpu.dma_semaphore, #tpu.memory_space<semaphore_mem>>)
        %dma_wait3A = tpu.memref_slice %arg5[%add3A_687] : memref<1024xf32, #tpu.memory_space<hbm>> -> memref<16xf32, #tpu.memory_space<hbm>>
        %dma_wait3A_915 = tpu.memref_slice %arg5[%add3A_687] : memref<1024xf32, #tpu.memory_space<hbm>> -> memref<16xf32, #tpu.memory_space<hbm>>
        tpu.wait_dma2 semaphore(%run_scoped3A : memref<!tpu.dma_semaphore, #tpu.memory_space<semaphore_mem>>) src(%arg9 : memref<16xf32, #tpu.memory_space<vmem>>) dst(%dma_wait3A_915 : memref<16xf32, #tpu.memory_space<hbm>>)
        tpu.yield
      }) : () -> ()
      %broadcast_in_dim3A_688 = arith.constant 0.000000e+00 : f32
      %broadcast_in_dim3A_689 = vector.broadcast %broadcast_in_dim3A_688 : f32 to vector<16xf32>
      %get3A_690 = arith.constant 0 : index
      %get3A_691 = tpu.vector_load %arg6[%get3A_690] {strides = array<i32>} : memref<128xi32, #tpu.memory_space<vmem>>, vector<16xi32>,
      %get3A_692 = vector.shape_cast %get3A_691 : vector<16xi32> to vector<16xi32>
      %eq3A_693 = arith.constant 6 : i32
      %eq3A_694 = vector.broadcast %eq3A_693 : i32 to vector<16xi32>
      %eq3A_695 = arith.cmpi eq, %get3A_692, %eq3A_694 : vector<16xi32>
      %get3A_696 = arith.constant 0 : index
      %get3A_697 = tpu.vector_load %arg7[%get3A_696] {strides = array<i32>} : memref<128xf32, #tpu.memory_space<vmem>>, vector<16xf32>,
      %get3A_698 = vector.shape_cast %get3A_697 : vector<16xf32> to vector<16xf32>
      %jit3A_699 = arith.constant 0.000000e+00 : f32
      %broadcast_in_dim3A_700 = vector.broadcast %jit3A_699 : f32 to vector<16xf32>
      %select_n3A_701 = arith.select %eq3A_695, %get3A_698, %broadcast_in_dim3A_700 : vector<16xi1>, vector<16xf32>
      %add3A_702 = arith.addf %broadcast_in_dim3A_689, %select_n3A_701 : vector<16xf32>
      %get3A_703 = arith.constant 16 : index
      %get3A_704 = tpu.vector_load %arg6[%get3A_703] {strides = array<i32>} : memref<128xi32, #tpu.memory_space<vmem>>, vector<16xi32>,
      %get3A_705 = vector.shape_cast %get3A_704 : vector<16xi32> to vector<16xi32>
      %eq3A_706 = arith.constant 6 : i32
      %eq3A_707 = vector.broadcast %eq3A_706 : i32 to vector<16xi32>
      %eq3A_708 = arith.cmpi eq, %get3A_705, %eq3A_707 : vector<16xi32>
      %get3A_709 = arith.constant 16 : index
      %get3A_710 = tpu.vector_load %arg7[%get3A_709] {strides = array<i32>} : memref<128xf32, #tpu.memory_space<vmem>>, vector<16xf32>,
      %get3A_711 = vector.shape_cast %get3A_710 : vector<16xf32> to vector<16xf32>
      %jit3A_712 = arith.constant 0.000000e+00 : f32
      %broadcast_in_dim3A_713 = vector.broadcast %jit3A_712 : f32 to vector<16xf32>
      %select_n3A_714 = arith.select %eq3A_708, %get3A_711, %broadcast_in_dim3A_713 : vector<16xi1>, vector<16xf32>
      %add3A_715 = arith.addf %add3A_702, %select_n3A_714 : vector<16xf32>
      %get3A_716 = arith.constant 32 : index
      %get3A_717 = tpu.vector_load %arg6[%get3A_716] {strides = array<i32>} : memref<128xi32, #tpu.memory_space<vmem>>, vector<16xi32>,
      %get3A_718 = vector.shape_cast %get3A_717 : vector<16xi32> to vector<16xi32>
      %eq3A_719 = arith.constant 6 : i32
      %eq3A_720 = vector.broadcast %eq3A_719 : i32 to vector<16xi32>
      %eq3A_721 = arith.cmpi eq, %get3A_718, %eq3A_720 : vector<16xi32>
      %get3A_722 = arith.constant 32 : index
      %get3A_723 = tpu.vector_load %arg7[%get3A_722] {strides = array<i32>} : memref<128xf32, #tpu.memory_space<vmem>>, vector<16xf32>,
      %get3A_724 = vector.shape_cast %get3A_723 : vector<16xf32> to vector<16xf32>
      %jit3A_725 = arith.constant 0.000000e+00 : f32
      %broadcast_in_dim3A_726 = vector.broadcast %jit3A_725 : f32 to vector<16xf32>
      %select_n3A_727 = arith.select %eq3A_721, %get3A_724, %broadcast_in_dim3A_726 : vector<16xi1>, vector<16xf32>
      %add3A_728 = arith.addf %add3A_715, %select_n3A_727 : vector<16xf32>
      %get3A_729 = arith.constant 48 : index
      %get3A_730 = tpu.vector_load %arg6[%get3A_729] {strides = array<i32>} : memref<128xi32, #tpu.memory_space<vmem>>, vector<16xi32>,
      %get3A_731 = vector.shape_cast %get3A_730 : vector<16xi32> to vector<16xi32>
      %eq3A_732 = arith.constant 6 : i32
      %eq3A_733 = vector.broadcast %eq3A_732 : i32 to vector<16xi32>
      %eq3A_734 = arith.cmpi eq, %get3A_731, %eq3A_733 : vector<16xi32>
      %get3A_735 = arith.constant 48 : index
      %get3A_736 = tpu.vector_load %arg7[%get3A_735] {strides = array<i32>} : memref<128xf32, #tpu.memory_space<vmem>>, vector<16xf32>,
      %get3A_737 = vector.shape_cast %get3A_736 : vector<16xf32> to vector<16xf32>
      %jit3A_738 = arith.constant 0.000000e+00 : f32
      %broadcast_in_dim3A_739 = vector.broadcast %jit3A_738 : f32 to vector<16xf32>
      %select_n3A_740 = arith.select %eq3A_734, %get3A_737, %broadcast_in_dim3A_739 : vector<16xi1>, vector<16xf32>
      %add3A_741 = arith.addf %add3A_728, %select_n3A_740 : vector<16xf32>
      %get3A_742 = arith.constant 64 : index
      %get3A_743 = tpu.vector_load %arg6[%get3A_742] {strides = array<i32>} : memref<128xi32, #tpu.memory_space<vmem>>, vector<16xi32>,
      %get3A_744 = vector.shape_cast %get3A_743 : vector<16xi32> to vector<16xi32>
      %eq3A_745 = arith.constant 6 : i32
      %eq3A_746 = vector.broadcast %eq3A_745 : i32 to vector<16xi32>
      %eq3A_747 = arith.cmpi eq, %get3A_744, %eq3A_746 : vector<16xi32>
      %get3A_748 = arith.constant 64 : index
      %get3A_749 = tpu.vector_load %arg7[%get3A_748] {strides = array<i32>} : memref<128xf32, #tpu.memory_space<vmem>>, vector<16xf32>,
      %get3A_750 = vector.shape_cast %get3A_749 : vector<16xf32> to vector<16xf32>
      %jit3A_751 = arith.constant 0.000000e+00 : f32
      %broadcast_in_dim3A_752 = vector.broadcast %jit3A_751 : f32 to vector<16xf32>
      %select_n3A_753 = arith.select %eq3A_747, %get3A_750, %broadcast_in_dim3A_752 : vector<16xi1>, vector<16xf32>
      %add3A_754 = arith.addf %add3A_741, %select_n3A_753 : vector<16xf32>
      %get3A_755 = arith.constant 80 : index
      %get3A_756 = tpu.vector_load %arg6[%get3A_755] {strides = array<i32>} : memref<128xi32, #tpu.memory_space<vmem>>, vector<16xi32>,
      %get3A_757 = vector.shape_cast %get3A_756 : vector<16xi32> to vector<16xi32>
      %eq3A_758 = arith.constant 6 : i32
      %eq3A_759 = vector.broadcast %eq3A_758 : i32 to vector<16xi32>
      %eq3A_760 = arith.cmpi eq, %get3A_757, %eq3A_759 : vector<16xi32>
      %get3A_761 = arith.constant 80 : index
      %get3A_762 = tpu.vector_load %arg7[%get3A_761] {strides = array<i32>} : memref<128xf32, #tpu.memory_space<vmem>>, vector<16xf32>,
      %get3A_763 = vector.shape_cast %get3A_762 : vector<16xf32> to vector<16xf32>
      %jit3A_764 = arith.constant 0.000000e+00 : f32
      %broadcast_in_dim3A_765 = vector.broadcast %jit3A_764 : f32 to vector<16xf32>
      %select_n3A_766 = arith.select %eq3A_760, %get3A_763, %broadcast_in_dim3A_765 : vector<16xi1>, vector<16xf32>
      %add3A_767 = arith.addf %add3A_754, %select_n3A_766 : vector<16xf32>
      %get3A_768 = arith.constant 96 : index
      %get3A_769 = tpu.vector_load %arg6[%get3A_768] {strides = array<i32>} : memref<128xi32, #tpu.memory_space<vmem>>, vector<16xi32>,
      %get3A_770 = vector.shape_cast %get3A_769 : vector<16xi32> to vector<16xi32>
      %eq3A_771 = arith.constant 6 : i32
      %eq3A_772 = vector.broadcast %eq3A_771 : i32 to vector<16xi32>
      %eq3A_773 = arith.cmpi eq, %get3A_770, %eq3A_772 : vector<16xi32>
      %get3A_774 = arith.constant 96 : index
      %get3A_775 = tpu.vector_load %arg7[%get3A_774] {strides = array<i32>} : memref<128xf32, #tpu.memory_space<vmem>>, vector<16xf32>,
      %get3A_776 = vector.shape_cast %get3A_775 : vector<16xf32> to vector<16xf32>
      %jit3A_777 = arith.constant 0.000000e+00 : f32
      %broadcast_in_dim3A_778 = vector.broadcast %jit3A_777 : f32 to vector<16xf32>
      %select_n3A_779 = arith.select %eq3A_773, %get3A_776, %broadcast_in_dim3A_778 : vector<16xi1>, vector<16xf32>
      %add3A_780 = arith.addf %add3A_767, %select_n3A_779 : vector<16xf32>
      %get3A_781 = arith.constant 112 : index
      %get3A_782 = tpu.vector_load %arg6[%get3A_781] {strides = array<i32>} : memref<128xi32, #tpu.memory_space<vmem>>, vector<16xi32>,
      %get3A_783 = vector.shape_cast %get3A_782 : vector<16xi32> to vector<16xi32>
      %eq3A_784 = arith.constant 6 : i32
      %eq3A_785 = vector.broadcast %eq3A_784 : i32 to vector<16xi32>
      %eq3A_786 = arith.cmpi eq, %get3A_783, %eq3A_785 : vector<16xi32>
      %get3A_787 = arith.constant 112 : index
      %get3A_788 = tpu.vector_load %arg7[%get3A_787] {strides = array<i32>} : memref<128xf32, #tpu.memory_space<vmem>>, vector<16xf32>,
      %get3A_789 = vector.shape_cast %get3A_788 : vector<16xf32> to vector<16xf32>
      %jit3A_790 = arith.constant 0.000000e+00 : f32
      %broadcast_in_dim3A_791 = vector.broadcast %jit3A_790 : f32 to vector<16xf32>
      %select_n3A_792 = arith.select %eq3A_786, %get3A_789, %broadcast_in_dim3A_791 : vector<16xi1>, vector<16xf32>
      %add3A_793 = arith.addf %add3A_780, %select_n3A_792 : vector<16xf32>
      %mul3A_794 = arith.mulf %add3A_793, %get3A_14 : vector<16xf32>
      %swap3A_795 = arith.constant 0 : index
      %swap3A_796 = tpu.vector_load %arg9[%swap3A_795] {strides = array<i32>} : memref<16xf32, #tpu.memory_space<vmem>>, vector<16xf32>,
      %swap3A_797 = vector.shape_cast %swap3A_796 : vector<16xf32> to vector<16xf32>
      %swap3A_798 = vector.shape_cast %mul3A_794 : vector<16xf32> to vector<16xf32>
      tpu.vector_store %arg9[%swap3A_795], %swap3A_798 {strides = array<i32>} : memref<16xf32, #tpu.memory_space<vmem>>, vector<16xf32>,
      %add3A_799 = arith.constant 768 : i32
      %add3A_800 = arith.addi %add3A_799, %mul3A_4 : i32
      "tpu.region"() ({
        %run_scoped3A = tpu.sem_alloc : memref<!tpu.dma_semaphore, #tpu.memory_space<semaphore_mem>>
        %dma_start3A = tpu.memref_slice %arg5[%add3A_800] : memref<1024xf32, #tpu.memory_space<hbm>> -> memref<16xf32, #tpu.memory_space<hbm>>
        %dma_start3A_914 = tpu.memref_slice %arg5[%add3A_800] : memref<1024xf32, #tpu.memory_space<hbm>> -> memref<16xf32, #tpu.memory_space<hbm>>
        tpu.enqueue_dma source(%arg9 : memref<16xf32, #tpu.memory_space<vmem>>) target(%dma_start3A_914 : memref<16xf32, #tpu.memory_space<hbm>>) target_semaphore(%run_scoped3A : memref<!tpu.dma_semaphore, #tpu.memory_space<semaphore_mem>>)
        %dma_wait3A = tpu.memref_slice %arg5[%add3A_800] : memref<1024xf32, #tpu.memory_space<hbm>> -> memref<16xf32, #tpu.memory_space<hbm>>
        %dma_wait3A_915 = tpu.memref_slice %arg5[%add3A_800] : memref<1024xf32, #tpu.memory_space<hbm>> -> memref<16xf32, #tpu.memory_space<hbm>>
        tpu.wait_dma2 semaphore(%run_scoped3A : memref<!tpu.dma_semaphore, #tpu.memory_space<semaphore_mem>>) src(%arg9 : memref<16xf32, #tpu.memory_space<vmem>>) dst(%dma_wait3A_915 : memref<16xf32, #tpu.memory_space<hbm>>)
        tpu.yield
      }) : () -> ()
      %broadcast_in_dim3A_801 = arith.constant 0.000000e+00 : f32
      %broadcast_in_dim3A_802 = vector.broadcast %broadcast_in_dim3A_801 : f32 to vector<16xf32>
      %get3A_803 = arith.constant 0 : index
      %get3A_804 = tpu.vector_load %arg6[%get3A_803] {strides = array<i32>} : memref<128xi32, #tpu.memory_space<vmem>>, vector<16xi32>,
      %get3A_805 = vector.shape_cast %get3A_804 : vector<16xi32> to vector<16xi32>
      %eq3A_806 = arith.constant 7 : i32
      %eq3A_807 = vector.broadcast %eq3A_806 : i32 to vector<16xi32>
      %eq3A_808 = arith.cmpi eq, %get3A_805, %eq3A_807 : vector<16xi32>
      %get3A_809 = arith.constant 0 : index
      %get3A_810 = tpu.vector_load %arg7[%get3A_809] {strides = array<i32>} : memref<128xf32, #tpu.memory_space<vmem>>, vector<16xf32>,
      %get3A_811 = vector.shape_cast %get3A_810 : vector<16xf32> to vector<16xf32>
      %jit3A_812 = arith.constant 0.000000e+00 : f32
      %broadcast_in_dim3A_813 = vector.broadcast %jit3A_812 : f32 to vector<16xf32>
      %select_n3A_814 = arith.select %eq3A_808, %get3A_811, %broadcast_in_dim3A_813 : vector<16xi1>, vector<16xf32>
      %add3A_815 = arith.addf %broadcast_in_dim3A_802, %select_n3A_814 : vector<16xf32>
      %get3A_816 = arith.constant 16 : index
      %get3A_817 = tpu.vector_load %arg6[%get3A_816] {strides = array<i32>} : memref<128xi32, #tpu.memory_space<vmem>>, vector<16xi32>,
      %get3A_818 = vector.shape_cast %get3A_817 : vector<16xi32> to vector<16xi32>
      %eq3A_819 = arith.constant 7 : i32
      %eq3A_820 = vector.broadcast %eq3A_819 : i32 to vector<16xi32>
      %eq3A_821 = arith.cmpi eq, %get3A_818, %eq3A_820 : vector<16xi32>
      %get3A_822 = arith.constant 16 : index
      %get3A_823 = tpu.vector_load %arg7[%get3A_822] {strides = array<i32>} : memref<128xf32, #tpu.memory_space<vmem>>, vector<16xf32>,
      %get3A_824 = vector.shape_cast %get3A_823 : vector<16xf32> to vector<16xf32>
      %jit3A_825 = arith.constant 0.000000e+00 : f32
      %broadcast_in_dim3A_826 = vector.broadcast %jit3A_825 : f32 to vector<16xf32>
      %select_n3A_827 = arith.select %eq3A_821, %get3A_824, %broadcast_in_dim3A_826 : vector<16xi1>, vector<16xf32>
      %add3A_828 = arith.addf %add3A_815, %select_n3A_827 : vector<16xf32>
      %get3A_829 = arith.constant 32 : index
      %get3A_830 = tpu.vector_load %arg6[%get3A_829] {strides = array<i32>} : memref<128xi32, #tpu.memory_space<vmem>>, vector<16xi32>,
      %get3A_831 = vector.shape_cast %get3A_830 : vector<16xi32> to vector<16xi32>
      %eq3A_832 = arith.constant 7 : i32
      %eq3A_833 = vector.broadcast %eq3A_832 : i32 to vector<16xi32>
      %eq3A_834 = arith.cmpi eq, %get3A_831, %eq3A_833 : vector<16xi32>
      %get3A_835 = arith.constant 32 : index
      %get3A_836 = tpu.vector_load %arg7[%get3A_835] {strides = array<i32>} : memref<128xf32, #tpu.memory_space<vmem>>, vector<16xf32>,
      %get3A_837 = vector.shape_cast %get3A_836 : vector<16xf32> to vector<16xf32>
      %jit3A_838 = arith.constant 0.000000e+00 : f32
      %broadcast_in_dim3A_839 = vector.broadcast %jit3A_838 : f32 to vector<16xf32>
      %select_n3A_840 = arith.select %eq3A_834, %get3A_837, %broadcast_in_dim3A_839 : vector<16xi1>, vector<16xf32>
      %add3A_841 = arith.addf %add3A_828, %select_n3A_840 : vector<16xf32>
      %get3A_842 = arith.constant 48 : index
      %get3A_843 = tpu.vector_load %arg6[%get3A_842] {strides = array<i32>} : memref<128xi32, #tpu.memory_space<vmem>>, vector<16xi32>,
      %get3A_844 = vector.shape_cast %get3A_843 : vector<16xi32> to vector<16xi32>
      %eq3A_845 = arith.constant 7 : i32
      %eq3A_846 = vector.broadcast %eq3A_845 : i32 to vector<16xi32>
      %eq3A_847 = arith.cmpi eq, %get3A_844, %eq3A_846 : vector<16xi32>
      %get3A_848 = arith.constant 48 : index
      %get3A_849 = tpu.vector_load %arg7[%get3A_848] {strides = array<i32>} : memref<128xf32, #tpu.memory_space<vmem>>, vector<16xf32>,
      %get3A_850 = vector.shape_cast %get3A_849 : vector<16xf32> to vector<16xf32>
      %jit3A_851 = arith.constant 0.000000e+00 : f32
      %broadcast_in_dim3A_852 = vector.broadcast %jit3A_851 : f32 to vector<16xf32>
      %select_n3A_853 = arith.select %eq3A_847, %get3A_850, %broadcast_in_dim3A_852 : vector<16xi1>, vector<16xf32>
      %add3A_854 = arith.addf %add3A_841, %select_n3A_853 : vector<16xf32>
      %get3A_855 = arith.constant 64 : index
      %get3A_856 = tpu.vector_load %arg6[%get3A_855] {strides = array<i32>} : memref<128xi32, #tpu.memory_space<vmem>>, vector<16xi32>,
      %get3A_857 = vector.shape_cast %get3A_856 : vector<16xi32> to vector<16xi32>
      %eq3A_858 = arith.constant 7 : i32
      %eq3A_859 = vector.broadcast %eq3A_858 : i32 to vector<16xi32>
      %eq3A_860 = arith.cmpi eq, %get3A_857, %eq3A_859 : vector<16xi32>
      %get3A_861 = arith.constant 64 : index
      %get3A_862 = tpu.vector_load %arg7[%get3A_861] {strides = array<i32>} : memref<128xf32, #tpu.memory_space<vmem>>, vector<16xf32>,
      %get3A_863 = vector.shape_cast %get3A_862 : vector<16xf32> to vector<16xf32>
      %jit3A_864 = arith.constant 0.000000e+00 : f32
      %broadcast_in_dim3A_865 = vector.broadcast %jit3A_864 : f32 to vector<16xf32>
      %select_n3A_866 = arith.select %eq3A_860, %get3A_863, %broadcast_in_dim3A_865 : vector<16xi1>, vector<16xf32>
      %add3A_867 = arith.addf %add3A_854, %select_n3A_866 : vector<16xf32>
      %get3A_868 = arith.constant 80 : index
      %get3A_869 = tpu.vector_load %arg6[%get3A_868] {strides = array<i32>} : memref<128xi32, #tpu.memory_space<vmem>>, vector<16xi32>,
      %get3A_870 = vector.shape_cast %get3A_869 : vector<16xi32> to vector<16xi32>
      %eq3A_871 = arith.constant 7 : i32
      %eq3A_872 = vector.broadcast %eq3A_871 : i32 to vector<16xi32>
      %eq3A_873 = arith.cmpi eq, %get3A_870, %eq3A_872 : vector<16xi32>
      %get3A_874 = arith.constant 80 : index
      %get3A_875 = tpu.vector_load %arg7[%get3A_874] {strides = array<i32>} : memref<128xf32, #tpu.memory_space<vmem>>, vector<16xf32>,
      %get3A_876 = vector.shape_cast %get3A_875 : vector<16xf32> to vector<16xf32>
      %jit3A_877 = arith.constant 0.000000e+00 : f32
      %broadcast_in_dim3A_878 = vector.broadcast %jit3A_877 : f32 to vector<16xf32>
      %select_n3A_879 = arith.select %eq3A_873, %get3A_876, %broadcast_in_dim3A_878 : vector<16xi1>, vector<16xf32>
      %add3A_880 = arith.addf %add3A_867, %select_n3A_879 : vector<16xf32>
      %get3A_881 = arith.constant 96 : index
      %get3A_882 = tpu.vector_load %arg6[%get3A_881] {strides = array<i32>} : memref<128xi32, #tpu.memory_space<vmem>>, vector<16xi32>,
      %get3A_883 = vector.shape_cast %get3A_882 : vector<16xi32> to vector<16xi32>
      %eq3A_884 = arith.constant 7 : i32
      %eq3A_885 = vector.broadcast %eq3A_884 : i32 to vector<16xi32>
      %eq3A_886 = arith.cmpi eq, %get3A_883, %eq3A_885 : vector<16xi32>
      %get3A_887 = arith.constant 96 : index
      %get3A_888 = tpu.vector_load %arg7[%get3A_887] {strides = array<i32>} : memref<128xf32, #tpu.memory_space<vmem>>, vector<16xf32>,
      %get3A_889 = vector.shape_cast %get3A_888 : vector<16xf32> to vector<16xf32>
      %jit3A_890 = arith.constant 0.000000e+00 : f32
      %broadcast_in_dim3A_891 = vector.broadcast %jit3A_890 : f32 to vector<16xf32>
      %select_n3A_892 = arith.select %eq3A_886, %get3A_889, %broadcast_in_dim3A_891 : vector<16xi1>, vector<16xf32>
      %add3A_893 = arith.addf %add3A_880, %select_n3A_892 : vector<16xf32>
      %get3A_894 = arith.constant 112 : index
      %get3A_895 = tpu.vector_load %arg6[%get3A_894] {strides = array<i32>} : memref<128xi32, #tpu.memory_space<vmem>>, vector<16xi32>,
      %get3A_896 = vector.shape_cast %get3A_895 : vector<16xi32> to vector<16xi32>
      %eq3A_897 = arith.constant 7 : i32
      %eq3A_898 = vector.broadcast %eq3A_897 : i32 to vector<16xi32>
      %eq3A_899 = arith.cmpi eq, %get3A_896, %eq3A_898 : vector<16xi32>
      %get3A_900 = arith.constant 112 : index
      %get3A_901 = tpu.vector_load %arg7[%get3A_900] {strides = array<i32>} : memref<128xf32, #tpu.memory_space<vmem>>, vector<16xf32>,
      %get3A_902 = vector.shape_cast %get3A_901 : vector<16xf32> to vector<16xf32>
      %jit3A_903 = arith.constant 0.000000e+00 : f32
      %broadcast_in_dim3A_904 = vector.broadcast %jit3A_903 : f32 to vector<16xf32>
      %select_n3A_905 = arith.select %eq3A_899, %get3A_902, %broadcast_in_dim3A_904 : vector<16xi1>, vector<16xf32>
      %add3A_906 = arith.addf %add3A_893, %select_n3A_905 : vector<16xf32>
      %mul3A_907 = arith.mulf %add3A_906, %get3A_14 : vector<16xf32>
      %swap3A_908 = arith.constant 0 : index
      %swap3A_909 = tpu.vector_load %arg9[%swap3A_908] {strides = array<i32>} : memref<16xf32, #tpu.memory_space<vmem>>, vector<16xf32>,
      %swap3A_910 = vector.shape_cast %swap3A_909 : vector<16xf32> to vector<16xf32>
      %swap3A_911 = vector.shape_cast %mul3A_907 : vector<16xf32> to vector<16xf32>
      tpu.vector_store %arg9[%swap3A_908], %swap3A_911 {strides = array<i32>} : memref<16xf32, #tpu.memory_space<vmem>>, vector<16xf32>,
      %add3A_912 = arith.constant 896 : i32
      %add3A_913 = arith.addi %add3A_912, %mul3A_4 : i32
      "tpu.region"() ({
        %run_scoped3A = tpu.sem_alloc : memref<!tpu.dma_semaphore, #tpu.memory_space<semaphore_mem>>
        %dma_start3A = tpu.memref_slice %arg5[%add3A_913] : memref<1024xf32, #tpu.memory_space<hbm>> -> memref<16xf32, #tpu.memory_space<hbm>>
        %dma_start3A_914 = tpu.memref_slice %arg5[%add3A_913] : memref<1024xf32, #tpu.memory_space<hbm>> -> memref<16xf32, #tpu.memory_space<hbm>>
        tpu.enqueue_dma source(%arg9 : memref<16xf32, #tpu.memory_space<vmem>>) target(%dma_start3A_914 : memref<16xf32, #tpu.memory_space<hbm>>) target_semaphore(%run_scoped3A : memref<!tpu.dma_semaphore, #tpu.memory_space<semaphore_mem>>)
        %dma_wait3A = tpu.memref_slice %arg5[%add3A_913] : memref<1024xf32, #tpu.memory_space<hbm>> -> memref<16xf32, #tpu.memory_space<hbm>>
        %dma_wait3A_915 = tpu.memref_slice %arg5[%add3A_913] : memref<1024xf32, #tpu.memory_space<hbm>> -> memref<16xf32, #tpu.memory_space<hbm>>
        tpu.wait_dma2 semaphore(%run_scoped3A : memref<!tpu.dma_semaphore, #tpu.memory_space<semaphore_mem>>) src(%arg9 : memref<16xf32, #tpu.memory_space<vmem>>) dst(%dma_wait3A_915 : memref<16xf32, #tpu.memory_space<hbm>>)
        tpu.yield
      }) : () -> ()
    } else {
    }
    return
  }
}

module attributes {stable_mosaic.version = 14 : i64} {
  func.func @_ffn_body(%arg0: i32, %arg1: i32, %arg2: memref<1x128x1xf32, #tpu.memory_space<vmem>>, %arg3: memref<128x2048xf32, #tpu.memory_space<vmem>>, %arg4: memref<1x1x2048xf32, #tpu.memory_space<vmem>>, %arg5: memref<1x512x512xf32, #tpu.memory_space<vmem>>, %arg6: memref<1x512x512xf32, #tpu.memory_space<vmem>>, %arg7: memref<1x512x512xf32, #tpu.memory_space<vmem>>, %arg8: memref<1x512x512xf32, #tpu.memory_space<vmem>>, %arg9: memref<1x512x512xf32, #tpu.memory_space<vmem>>, %arg10: memref<1x512x512xf32, #tpu.memory_space<vmem>>, %arg11: memref<1x512x512xf32, #tpu.memory_space<vmem>>, %arg12: memref<1x512x512xf32, #tpu.memory_space<vmem>>, %arg13: memref<1x1x512xf32, #tpu.memory_space<vmem>>, %arg14: memref<1x1x512xf32, #tpu.memory_space<vmem>>, %arg15: memref<1x512x512xf32, #tpu.memory_space<vmem>>, %arg16: memref<1x512x512xf32, #tpu.memory_space<vmem>>, %arg17: memref<1x512x512xf32, #tpu.memory_space<vmem>>, %arg18: memref<1x512x512xf32, #tpu.memory_space<vmem>>, %arg19: memref<1x1x2048xf32, #tpu.memory_space<vmem>>, %arg20: memref<128x2048xf32, #tpu.memory_space<vmem>>) attributes {dimension_semantics = [#tpu.dimension_semantics<arbitrary>, #tpu.dimension_semantics<arbitrary>], iteration_bounds = array<i64: 8, 2>, scalar_prefetch = 0 : i64, scratch_operands = 0 : i64, tpu.core_type = #tpu.core_type<tc>, window_params = [{transform_indices = @transform_0, window_bounds = array<i64: 1, 128, 1>}, {pipeline_mode = #tpu.pipeline_mode<synchronous>, transform_indices = @transform_1, window_bounds = array<i64: 128, 2048>}, {transform_indices = @transform_2, window_bounds = array<i64: 1, 1, 2048>}, {transform_indices = @transform_3, window_bounds = array<i64: 1, 512, 512>}, {transform_indices = @transform_4, window_bounds = array<i64: 1, 512, 512>}, {transform_indices = @transform_5, window_bounds = array<i64: 1, 512, 512>}, {transform_indices = @transform_6, window_bounds = array<i64: 1, 512, 512>}, {transform_indices = @transform_7, window_bounds = array<i64: 1, 512, 512>}, {transform_indices = @transform_8, window_bounds = array<i64: 1, 512, 512>}, {transform_indices = @transform_9, window_bounds = array<i64: 1, 512, 512>}, {transform_indices = @transform_10, window_bounds = array<i64: 1, 512, 512>}, {transform_indices = @transform_11, window_bounds = array<i64: 1, 1, 512>}, {transform_indices = @transform_12, window_bounds = array<i64: 1, 1, 512>}, {transform_indices = @transform_13, window_bounds = array<i64: 1, 512, 512>}, {transform_indices = @transform_14, window_bounds = array<i64: 1, 512, 512>}, {transform_indices = @transform_15, window_bounds = array<i64: 1, 512, 512>}, {transform_indices = @transform_16, window_bounds = array<i64: 1, 512, 512>}, {transform_indices = @transform_17, window_bounds = array<i64: 1, 1, 2048>}, {pipeline_mode = #tpu.pipeline_mode<synchronous>, transform_indices = @transform_18, window_bounds = array<i64: 128, 2048>}]} {
    %get3A = arith.constant 0 : index
    %get3A_0 = arith.constant 0 : index
    %get3A_1 = arith.constant 0 : index
    %get3A_2 = vector.load %arg2[%get3A, %get3A_0, %get3A_1] : memref<1x128x1xf32, #tpu.memory_space<vmem>>, vector<1x128x1xf32>
    %get3A_3 = vector.shape_cast %get3A_2 : vector<1x128x1xf32> to vector<128x1xf32>
    %get3A_4 = arith.constant 0 : index
    %get3A_5 = arith.constant 0 : index
    %get3A_6 = vector.load %arg3[%get3A_4, %get3A_5] : memref<128x2048xf32, #tpu.memory_space<vmem>>, vector<128x2048xf32>
    %get3A_7 = arith.constant 0 : index
    %get3A_8 = arith.constant 0 : index
    %get3A_9 = arith.constant 0 : index
    %get3A_10 = vector.load %arg4[%get3A_7, %get3A_8, %get3A_9] : memref<1x1x2048xf32, #tpu.memory_space<vmem>>, vector<1x1x2048xf32>
    %get3A_11 = vector.shape_cast %get3A_10 : vector<1x1x2048xf32> to vector<1x2048xf32>
    %mul3A = vector.broadcast %get3A_11 : vector<1x2048xf32> to vector<128x2048xf32>
    %mul3A_12 = arith.mulf %get3A_6, %mul3A : vector<128x2048xf32>
    %get3A_13 = arith.constant 0 : index
    %get3A_14 = arith.constant 0 : index
    %get3A_15 = arith.constant 0 : index
    %get3A_16 = vector.load %arg13[%get3A_13, %get3A_14, %get3A_15] : memref<1x1x512xf32, #tpu.memory_space<vmem>>, vector<1x1x512xf32>
    %get3A_17 = vector.shape_cast %get3A_16 : vector<1x1x512xf32> to vector<1x512xf32>
    %slice3A = vector.extract_strided_slice %mul3A_12 {offsets = [0, 0], sizes = [128, 512], strides = [1, 1]} : vector<128x2048xf32> to vector<128x512xf32>
    %get3A_18 = arith.constant 0 : index
    %get3A_19 = arith.constant 0 : index
    %get3A_20 = arith.constant 0 : index
    %get3A_21 = vector.load %arg5[%get3A_18, %get3A_19, %get3A_20] : memref<1x512x512xf32, #tpu.memory_space<vmem>>, vector<1x512x512xf32>
    %get3A_22 = vector.shape_cast %get3A_21 : vector<1x512x512xf32> to vector<512x512xf32>
    %dot_general3A = arith.constant dense<0.000000e+00> : vector<128x512xf32>
    %dot_general3A_23 = tpu.matmul %slice3A, %get3A_22, %dot_general3A {dimension_numbers = #tpu.dot_dimension_numbers<[1], [0], [0], [1], [0, 0, 1, 1], [], []>, transpose_lhs_hint = false} : vector<128x512xf32>, vector<512x512xf32>, vector<128x512xf32> -> vector<128x512xf32>
    %add3A = arith.constant 0.000000e+00 : f32
    %add3A_24 = vector.broadcast %add3A : f32 to vector<128x512xf32>
    %add3A_25 = arith.addf %add3A_24, %dot_general3A_23 : vector<128x512xf32>
    %slice3A_26 = vector.extract_strided_slice %mul3A_12 {offsets = [0, 512], sizes = [128, 512], strides = [1, 1]} : vector<128x2048xf32> to vector<128x512xf32>
    %get3A_27 = arith.constant 0 : index
    %get3A_28 = arith.constant 0 : index
    %get3A_29 = arith.constant 0 : index
    %get3A_30 = vector.load %arg6[%get3A_27, %get3A_28, %get3A_29] : memref<1x512x512xf32, #tpu.memory_space<vmem>>, vector<1x512x512xf32>
    %get3A_31 = vector.shape_cast %get3A_30 : vector<1x512x512xf32> to vector<512x512xf32>
    %dot_general3A_32 = arith.constant dense<0.000000e+00> : vector<128x512xf32>
    %dot_general3A_33 = tpu.matmul %slice3A_26, %get3A_31, %dot_general3A_32 {dimension_numbers = #tpu.dot_dimension_numbers<[1], [0], [0], [1], [0, 0, 1, 1], [], []>, transpose_lhs_hint = false} : vector<128x512xf32>, vector<512x512xf32>, vector<128x512xf32> -> vector<128x512xf32>
    %add3A_34 = arith.addf %add3A_25, %dot_general3A_33 : vector<128x512xf32>
    %slice3A_35 = vector.extract_strided_slice %mul3A_12 {offsets = [0, 1024], sizes = [128, 512], strides = [1, 1]} : vector<128x2048xf32> to vector<128x512xf32>
    %get3A_36 = arith.constant 0 : index
    %get3A_37 = arith.constant 0 : index
    %get3A_38 = arith.constant 0 : index
    %get3A_39 = vector.load %arg7[%get3A_36, %get3A_37, %get3A_38] : memref<1x512x512xf32, #tpu.memory_space<vmem>>, vector<1x512x512xf32>
    %get3A_40 = vector.shape_cast %get3A_39 : vector<1x512x512xf32> to vector<512x512xf32>
    %dot_general3A_41 = arith.constant dense<0.000000e+00> : vector<128x512xf32>
    %dot_general3A_42 = tpu.matmul %slice3A_35, %get3A_40, %dot_general3A_41 {dimension_numbers = #tpu.dot_dimension_numbers<[1], [0], [0], [1], [0, 0, 1, 1], [], []>, transpose_lhs_hint = false} : vector<128x512xf32>, vector<512x512xf32>, vector<128x512xf32> -> vector<128x512xf32>
    %add3A_43 = arith.addf %add3A_34, %dot_general3A_42 : vector<128x512xf32>
    %slice3A_44 = vector.extract_strided_slice %mul3A_12 {offsets = [0, 1536], sizes = [128, 512], strides = [1, 1]} : vector<128x2048xf32> to vector<128x512xf32>
    %get3A_45 = arith.constant 0 : index
    %get3A_46 = arith.constant 0 : index
    %get3A_47 = arith.constant 0 : index
    %get3A_48 = vector.load %arg8[%get3A_45, %get3A_46, %get3A_47] : memref<1x512x512xf32, #tpu.memory_space<vmem>>, vector<1x512x512xf32>
    %get3A_49 = vector.shape_cast %get3A_48 : vector<1x512x512xf32> to vector<512x512xf32>
    %dot_general3A_50 = arith.constant dense<0.000000e+00> : vector<128x512xf32>
    %dot_general3A_51 = tpu.matmul %slice3A_44, %get3A_49, %dot_general3A_50 {dimension_numbers = #tpu.dot_dimension_numbers<[1], [0], [0], [1], [0, 0, 1, 1], [], []>, transpose_lhs_hint = false} : vector<128x512xf32>, vector<512x512xf32>, vector<128x512xf32> -> vector<128x512xf32>
    %add3A_52 = arith.addf %add3A_43, %dot_general3A_51 : vector<128x512xf32>
    %mul3A_53 = vector.broadcast %get3A_17 : vector<1x512xf32> to vector<128x512xf32>
    %mul3A_54 = arith.mulf %mul3A_53, %add3A_52 : vector<128x512xf32>
    %get3A_55 = arith.constant 0 : index
    %get3A_56 = arith.constant 0 : index
    %get3A_57 = arith.constant 0 : index
    %get3A_58 = vector.load %arg14[%get3A_55, %get3A_56, %get3A_57] : memref<1x1x512xf32, #tpu.memory_space<vmem>>, vector<1x1x512xf32>
    %get3A_59 = vector.shape_cast %get3A_58 : vector<1x1x512xf32> to vector<1x512xf32>
    %slice3A_60 = vector.extract_strided_slice %mul3A_12 {offsets = [0, 0], sizes = [128, 512], strides = [1, 1]} : vector<128x2048xf32> to vector<128x512xf32>
    %get3A_61 = arith.constant 0 : index
    %get3A_62 = arith.constant 0 : index
    %get3A_63 = arith.constant 0 : index
    %get3A_64 = vector.load %arg9[%get3A_61, %get3A_62, %get3A_63] : memref<1x512x512xf32, #tpu.memory_space<vmem>>, vector<1x512x512xf32>
    %get3A_65 = vector.shape_cast %get3A_64 : vector<1x512x512xf32> to vector<512x512xf32>
    %dot_general3A_66 = arith.constant dense<0.000000e+00> : vector<128x512xf32>
    %dot_general3A_67 = tpu.matmul %slice3A_60, %get3A_65, %dot_general3A_66 {dimension_numbers = #tpu.dot_dimension_numbers<[1], [0], [0], [1], [0, 0, 1, 1], [], []>, transpose_lhs_hint = false} : vector<128x512xf32>, vector<512x512xf32>, vector<128x512xf32> -> vector<128x512xf32>
    %add3A_68 = arith.constant 0.000000e+00 : f32
    %add3A_69 = vector.broadcast %add3A_68 : f32 to vector<128x512xf32>
    %add3A_70 = arith.addf %add3A_69, %dot_general3A_67 : vector<128x512xf32>
    %slice3A_71 = vector.extract_strided_slice %mul3A_12 {offsets = [0, 512], sizes = [128, 512], strides = [1, 1]} : vector<128x2048xf32> to vector<128x512xf32>
    %get3A_72 = arith.constant 0 : index
    %get3A_73 = arith.constant 0 : index
    %get3A_74 = arith.constant 0 : index
    %get3A_75 = vector.load %arg10[%get3A_72, %get3A_73, %get3A_74] : memref<1x512x512xf32, #tpu.memory_space<vmem>>, vector<1x512x512xf32>
    %get3A_76 = vector.shape_cast %get3A_75 : vector<1x512x512xf32> to vector<512x512xf32>
    %dot_general3A_77 = arith.constant dense<0.000000e+00> : vector<128x512xf32>
    %dot_general3A_78 = tpu.matmul %slice3A_71, %get3A_76, %dot_general3A_77 {dimension_numbers = #tpu.dot_dimension_numbers<[1], [0], [0], [1], [0, 0, 1, 1], [], []>, transpose_lhs_hint = false} : vector<128x512xf32>, vector<512x512xf32>, vector<128x512xf32> -> vector<128x512xf32>
    %add3A_79 = arith.addf %add3A_70, %dot_general3A_78 : vector<128x512xf32>
    %slice3A_80 = vector.extract_strided_slice %mul3A_12 {offsets = [0, 1024], sizes = [128, 512], strides = [1, 1]} : vector<128x2048xf32> to vector<128x512xf32>
    %get3A_81 = arith.constant 0 : index
    %get3A_82 = arith.constant 0 : index
    %get3A_83 = arith.constant 0 : index
    %get3A_84 = vector.load %arg11[%get3A_81, %get3A_82, %get3A_83] : memref<1x512x512xf32, #tpu.memory_space<vmem>>, vector<1x512x512xf32>
    %get3A_85 = vector.shape_cast %get3A_84 : vector<1x512x512xf32> to vector<512x512xf32>
    %dot_general3A_86 = arith.constant dense<0.000000e+00> : vector<128x512xf32>
    %dot_general3A_87 = tpu.matmul %slice3A_80, %get3A_85, %dot_general3A_86 {dimension_numbers = #tpu.dot_dimension_numbers<[1], [0], [0], [1], [0, 0, 1, 1], [], []>, transpose_lhs_hint = false} : vector<128x512xf32>, vector<512x512xf32>, vector<128x512xf32> -> vector<128x512xf32>
    %add3A_88 = arith.addf %add3A_79, %dot_general3A_87 : vector<128x512xf32>
    %slice3A_89 = vector.extract_strided_slice %mul3A_12 {offsets = [0, 1536], sizes = [128, 512], strides = [1, 1]} : vector<128x2048xf32> to vector<128x512xf32>
    %get3A_90 = arith.constant 0 : index
    %get3A_91 = arith.constant 0 : index
    %get3A_92 = arith.constant 0 : index
    %get3A_93 = vector.load %arg12[%get3A_90, %get3A_91, %get3A_92] : memref<1x512x512xf32, #tpu.memory_space<vmem>>, vector<1x512x512xf32>
    %get3A_94 = vector.shape_cast %get3A_93 : vector<1x512x512xf32> to vector<512x512xf32>
    %dot_general3A_95 = arith.constant dense<0.000000e+00> : vector<128x512xf32>
    %dot_general3A_96 = tpu.matmul %slice3A_89, %get3A_94, %dot_general3A_95 {dimension_numbers = #tpu.dot_dimension_numbers<[1], [0], [0], [1], [0, 0, 1, 1], [], []>, transpose_lhs_hint = false} : vector<128x512xf32>, vector<512x512xf32>, vector<128x512xf32> -> vector<128x512xf32>
    %add3A_97 = arith.addf %add3A_88, %dot_general3A_96 : vector<128x512xf32>
    %mul3A_98 = vector.broadcast %get3A_59 : vector<1x512xf32> to vector<128x512xf32>
    %mul3A_99 = arith.mulf %mul3A_98, %add3A_97 : vector<128x512xf32>
    %logistic3A = arith.negf %mul3A_54 : vector<128x512xf32>
    %logistic3A_100 = math.exp %logistic3A : vector<128x512xf32>
    %logistic3A_101 = arith.constant 1.000000e+00 : f32
    %logistic3A_102 = vector.broadcast %logistic3A_101 : f32 to vector<128x512xf32>
    %logistic3A_103 = arith.addf %logistic3A_102, %logistic3A_100 : vector<128x512xf32>
    %logistic3A_104 = arith.divf %logistic3A_102, %logistic3A_103 : vector<128x512xf32>
    %mul3A_105 = arith.mulf %mul3A_54, %logistic3A_104 : vector<128x512xf32>
    %mul3A_106 = arith.mulf %mul3A_105, %mul3A_99 : vector<128x512xf32>
    %eq3A = arith.constant 0 : i32
    %eq3A_107 = arith.cmpi eq, %arg0, %eq3A : i32
    %eq3A_108 = arith.constant 0 : i32
    %eq3A_109 = arith.cmpi eq, %arg1, %eq3A_108 : i32
    %and3A = arith.andi %eq3A_107, %eq3A_109 : i1
    %convert_element_type3A = arith.extui %and3A : i1 to i32
    %cond3A = arith.constant 0 : i32
    %cond3A_110 = arith.cmpi ne, %convert_element_type3A, %cond3A : i32
    scf.if %cond3A_110 {
      %broadcast_in_dim3A = arith.constant 0.000000e+00 : f32
      %broadcast_in_dim3A_191 = vector.broadcast %broadcast_in_dim3A : f32 to vector<128x2048xf32>
      %swap3A_192 = arith.constant 0 : index
      %swap3A_193 = arith.constant 0 : index
      %swap3A_194 = vector.load %arg20[%swap3A_192, %swap3A_193] : memref<128x2048xf32, #tpu.memory_space<vmem>>, vector<128x2048xf32>
      tpu.vector_store %arg20[%swap3A_192, %swap3A_193], %broadcast_in_dim3A_191 {strides = array<i32>} : memref<128x2048xf32, #tpu.memory_space<vmem>>, vector<128x2048xf32>,
    } else {
    }
    %get3A_111 = arith.constant 0 : index
    %get3A_112 = arith.constant 0 : index
    %get3A_113 = arith.constant 0 : index
    %get3A_114 = vector.load %arg19[%get3A_111, %get3A_112, %get3A_113] : memref<1x1x2048xf32, #tpu.memory_space<vmem>>, vector<1x1x2048xf32>
    %get3A_115 = vector.shape_cast %get3A_114 : vector<1x1x2048xf32> to vector<1x2048xf32>
    %get3A_116 = arith.constant 0 : index
    %get3A_117 = arith.constant 0 : index
    %get3A_118 = arith.constant 0 : index
    %get3A_119 = vector.load %arg15[%get3A_116, %get3A_117, %get3A_118] : memref<1x512x512xf32, #tpu.memory_space<vmem>>, vector<1x512x512xf32>
    %get3A_120 = vector.shape_cast %get3A_119 : vector<1x512x512xf32> to vector<512x512xf32>
    %dot_general3A_121 = arith.constant dense<0.000000e+00> : vector<128x512xf32>
    %dot_general3A_122 = tpu.matmul %mul3A_106, %get3A_120, %dot_general3A_121 {dimension_numbers = #tpu.dot_dimension_numbers<[1], [0], [0], [1], [0, 0, 1, 1], [], []>, transpose_lhs_hint = false} : vector<128x512xf32>, vector<512x512xf32>, vector<128x512xf32> -> vector<128x512xf32>
    %get3A_123 = arith.constant 0 : index
    %get3A_124 = arith.constant 0 : index
    %get3A_125 = vector.load %arg20[%get3A_123, %get3A_124] : memref<128x2048xf32, #tpu.memory_space<vmem>>, vector<128x512xf32>
    %slice3A_126 = vector.extract_strided_slice %get3A_115 {offsets = [0, 0], sizes = [1, 512], strides = [1, 1]} : vector<1x2048xf32> to vector<1x512xf32>
    %mul3A_127 = vector.broadcast %slice3A_126 : vector<1x512xf32> to vector<128x512xf32>
    %mul3A_128 = arith.mulf %dot_general3A_122, %mul3A_127 : vector<128x512xf32>
    %mul3A_129 = vector.broadcast %get3A_3 : vector<128x1xf32> to vector<128x512xf32>
    %mul3A_130 = arith.mulf %mul3A_128, %mul3A_129 : vector<128x512xf32>
    %add3A_131 = arith.addf %get3A_125, %mul3A_130 : vector<128x512xf32>
    %swap3A = arith.constant 0 : index
    %swap3A_132 = arith.constant 0 : index
    %swap3A_133 = vector.load %arg20[%swap3A, %swap3A_132] : memref<128x2048xf32, #tpu.memory_space<vmem>>, vector<128x512xf32>
    tpu.vector_store %arg20[%swap3A, %swap3A_132], %add3A_131 {strides = array<i32>} : memref<128x2048xf32, #tpu.memory_space<vmem>>, vector<128x512xf32>,
    %get3A_134 = arith.constant 0 : index
    %get3A_135 = arith.constant 0 : index
    %get3A_136 = arith.constant 0 : index
    %get3A_137 = vector.load %arg16[%get3A_134, %get3A_135, %get3A_136] : memref<1x512x512xf32, #tpu.memory_space<vmem>>, vector<1x512x512xf32>
    %get3A_138 = vector.shape_cast %get3A_137 : vector<1x512x512xf32> to vector<512x512xf32>
    %dot_general3A_139 = arith.constant dense<0.000000e+00> : vector<128x512xf32>
    %dot_general3A_140 = tpu.matmul %mul3A_106, %get3A_138, %dot_general3A_139 {dimension_numbers = #tpu.dot_dimension_numbers<[1], [0], [0], [1], [0, 0, 1, 1], [], []>, transpose_lhs_hint = false} : vector<128x512xf32>, vector<512x512xf32>, vector<128x512xf32> -> vector<128x512xf32>
    %get3A_141 = arith.constant 0 : index
    %get3A_142 = arith.constant 512 : index
    %get3A_143 = vector.load %arg20[%get3A_141, %get3A_142] : memref<128x2048xf32, #tpu.memory_space<vmem>>, vector<128x512xf32>
    %slice3A_144 = vector.extract_strided_slice %get3A_115 {offsets = [0, 512], sizes = [1, 512], strides = [1, 1]} : vector<1x2048xf32> to vector<1x512xf32>
    %mul3A_145 = vector.broadcast %slice3A_144 : vector<1x512xf32> to vector<128x512xf32>
    %mul3A_146 = arith.mulf %dot_general3A_140, %mul3A_145 : vector<128x512xf32>
    %mul3A_147 = vector.broadcast %get3A_3 : vector<128x1xf32> to vector<128x512xf32>
    %mul3A_148 = arith.mulf %mul3A_146, %mul3A_147 : vector<128x512xf32>
    %add3A_149 = arith.addf %get3A_143, %mul3A_148 : vector<128x512xf32>
    %swap3A_150 = arith.constant 0 : index
    %swap3A_151 = arith.constant 512 : index
    %swap3A_152 = vector.load %arg20[%swap3A_150, %swap3A_151] : memref<128x2048xf32, #tpu.memory_space<vmem>>, vector<128x512xf32>
    tpu.vector_store %arg20[%swap3A_150, %swap3A_151], %add3A_149 {strides = array<i32>} : memref<128x2048xf32, #tpu.memory_space<vmem>>, vector<128x512xf32>,
    %get3A_153 = arith.constant 0 : index
    %get3A_154 = arith.constant 0 : index
    %get3A_155 = arith.constant 0 : index
    %get3A_156 = vector.load %arg17[%get3A_153, %get3A_154, %get3A_155] : memref<1x512x512xf32, #tpu.memory_space<vmem>>, vector<1x512x512xf32>
    %get3A_157 = vector.shape_cast %get3A_156 : vector<1x512x512xf32> to vector<512x512xf32>
    %dot_general3A_158 = arith.constant dense<0.000000e+00> : vector<128x512xf32>
    %dot_general3A_159 = tpu.matmul %mul3A_106, %get3A_157, %dot_general3A_158 {dimension_numbers = #tpu.dot_dimension_numbers<[1], [0], [0], [1], [0, 0, 1, 1], [], []>, transpose_lhs_hint = false} : vector<128x512xf32>, vector<512x512xf32>, vector<128x512xf32> -> vector<128x512xf32>
    %get3A_160 = arith.constant 0 : index
    %get3A_161 = arith.constant 1024 : index
    %get3A_162 = vector.load %arg20[%get3A_160, %get3A_161] : memref<128x2048xf32, #tpu.memory_space<vmem>>, vector<128x512xf32>
    %slice3A_163 = vector.extract_strided_slice %get3A_115 {offsets = [0, 1024], sizes = [1, 512], strides = [1, 1]} : vector<1x2048xf32> to vector<1x512xf32>
    %mul3A_164 = vector.broadcast %slice3A_163 : vector<1x512xf32> to vector<128x512xf32>
    %mul3A_165 = arith.mulf %dot_general3A_159, %mul3A_164 : vector<128x512xf32>
    %mul3A_166 = vector.broadcast %get3A_3 : vector<128x1xf32> to vector<128x512xf32>
    %mul3A_167 = arith.mulf %mul3A_165, %mul3A_166 : vector<128x512xf32>
    %add3A_168 = arith.addf %get3A_162, %mul3A_167 : vector<128x512xf32>
    %swap3A_169 = arith.constant 0 : index
    %swap3A_170 = arith.constant 1024 : index
    %swap3A_171 = vector.load %arg20[%swap3A_169, %swap3A_170] : memref<128x2048xf32, #tpu.memory_space<vmem>>, vector<128x512xf32>
    tpu.vector_store %arg20[%swap3A_169, %swap3A_170], %add3A_168 {strides = array<i32>} : memref<128x2048xf32, #tpu.memory_space<vmem>>, vector<128x512xf32>,
    %get3A_172 = arith.constant 0 : index
    %get3A_173 = arith.constant 0 : index
    %get3A_174 = arith.constant 0 : index
    %get3A_175 = vector.load %arg18[%get3A_172, %get3A_173, %get3A_174] : memref<1x512x512xf32, #tpu.memory_space<vmem>>, vector<1x512x512xf32>
    %get3A_176 = vector.shape_cast %get3A_175 : vector<1x512x512xf32> to vector<512x512xf32>
    %dot_general3A_177 = arith.constant dense<0.000000e+00> : vector<128x512xf32>
    %dot_general3A_178 = tpu.matmul %mul3A_106, %get3A_176, %dot_general3A_177 {dimension_numbers = #tpu.dot_dimension_numbers<[1], [0], [0], [1], [0, 0, 1, 1], [], []>, transpose_lhs_hint = false} : vector<128x512xf32>, vector<512x512xf32>, vector<128x512xf32> -> vector<128x512xf32>
    %get3A_179 = arith.constant 0 : index
    %get3A_180 = arith.constant 1536 : index
    %get3A_181 = vector.load %arg20[%get3A_179, %get3A_180] : memref<128x2048xf32, #tpu.memory_space<vmem>>, vector<128x512xf32>
    %slice3A_182 = vector.extract_strided_slice %get3A_115 {offsets = [0, 1536], sizes = [1, 512], strides = [1, 1]} : vector<1x2048xf32> to vector<1x512xf32>
    %mul3A_183 = vector.broadcast %slice3A_182 : vector<1x512xf32> to vector<128x512xf32>
    %mul3A_184 = arith.mulf %dot_general3A_178, %mul3A_183 : vector<128x512xf32>
    %mul3A_185 = vector.broadcast %get3A_3 : vector<128x1xf32> to vector<128x512xf32>
    %mul3A_186 = arith.mulf %mul3A_184, %mul3A_185 : vector<128x512xf32>
    %add3A_187 = arith.addf %get3A_181, %mul3A_186 : vector<128x512xf32>
    %swap3A_188 = arith.constant 0 : index
    %swap3A_189 = arith.constant 1536 : index
    %swap3A_190 = vector.load %arg20[%swap3A_188, %swap3A_189] : memref<128x2048xf32, #tpu.memory_space<vmem>>, vector<128x512xf32>
    tpu.vector_store %arg20[%swap3A_188, %swap3A_189], %add3A_187 {strides = array<i32>} : memref<128x2048xf32, #tpu.memory_space<vmem>>, vector<128x512xf32>,
    return
  }
  func.func @transform_0(%arg0: i32, %arg1: i32) -> (i32, i32, i32) {
    %c0_i32 = arith.constant 0 : i32
    %c0_i32_0 = arith.constant 0 : i32
    %c0_i32_1 = arith.constant 0 : i32
    return %arg0, %c0_i32, %c0_i32_0 : i32, i32, i32
  }
  func.func @transform_1(%arg0: i32, %arg1: i32) -> (i32, i32) {
    %c0_i32 = arith.constant 0 : i32
    %c0_i32_0 = arith.constant 0 : i32
    %c0_i32_1 = arith.constant 0 : i32
    return %c0_i32, %c0_i32_0 : i32, i32
  }
  func.func @transform_2(%arg0: i32, %arg1: i32) -> (i32, i32, i32) {
    %c0_i32 = arith.constant 0 : i32
    %c0_i32_0 = arith.constant 0 : i32
    %c0_i32_1 = arith.constant 0 : i32
    return %arg0, %c0_i32, %c0_i32_0 : i32, i32, i32
  }
  func.func @transform_3(%arg0: i32, %arg1: i32) -> (i32, i32, i32) {
    %c0_i32 = arith.constant 0 : i32
    %c0_i32_0 = arith.constant 0 : i32
    return %arg0, %c0_i32, %arg1 : i32, i32, i32
  }
  func.func @transform_4(%arg0: i32, %arg1: i32) -> (i32, i32, i32) {
    %c1_i32 = arith.constant 1 : i32
    %c0_i32 = arith.constant 0 : i32
    return %arg0, %c1_i32, %arg1 : i32, i32, i32
  }
  func.func @transform_5(%arg0: i32, %arg1: i32) -> (i32, i32, i32) {
    %c2_i32 = arith.constant 2 : i32
    %c0_i32 = arith.constant 0 : i32
    return %arg0, %c2_i32, %arg1 : i32, i32, i32
  }
  func.func @transform_6(%arg0: i32, %arg1: i32) -> (i32, i32, i32) {
    %c3_i32 = arith.constant 3 : i32
    %c0_i32 = arith.constant 0 : i32
    return %arg0, %c3_i32, %arg1 : i32, i32, i32
  }
  func.func @transform_7(%arg0: i32, %arg1: i32) -> (i32, i32, i32) {
    %add3A = arith.constant 2 : i32
    %add3A_0 = arith.addi %add3A, %arg1 : i32
    %c0_i32 = arith.constant 0 : i32
    %c0_i32_1 = arith.constant 0 : i32
    return %arg0, %c0_i32, %add3A_0 : i32, i32, i32
  }
  func.func @transform_8(%arg0: i32, %arg1: i32) -> (i32, i32, i32) {
    %add3A = arith.constant 2 : i32
    %add3A_0 = arith.addi %add3A, %arg1 : i32
    %c1_i32 = arith.constant 1 : i32
    %c0_i32 = arith.constant 0 : i32
    return %arg0, %c1_i32, %add3A_0 : i32, i32, i32
  }
  func.func @transform_9(%arg0: i32, %arg1: i32) -> (i32, i32, i32) {
    %add3A = arith.constant 2 : i32
    %add3A_0 = arith.addi %add3A, %arg1 : i32
    %c2_i32 = arith.constant 2 : i32
    %c0_i32 = arith.constant 0 : i32
    return %arg0, %c2_i32, %add3A_0 : i32, i32, i32
  }
  func.func @transform_10(%arg0: i32, %arg1: i32) -> (i32, i32, i32) {
    %add3A = arith.constant 2 : i32
    %add3A_0 = arith.addi %add3A, %arg1 : i32
    %c3_i32 = arith.constant 3 : i32
    %c0_i32 = arith.constant 0 : i32
    return %arg0, %c3_i32, %add3A_0 : i32, i32, i32
  }
  func.func @transform_11(%arg0: i32, %arg1: i32) -> (i32, i32, i32) {
    %c0_i32 = arith.constant 0 : i32
    %c0_i32_0 = arith.constant 0 : i32
    return %arg0, %c0_i32, %arg1 : i32, i32, i32
  }
  func.func @transform_12(%arg0: i32, %arg1: i32) -> (i32, i32, i32) {
    %add3A = arith.constant 2 : i32
    %add3A_0 = arith.addi %add3A, %arg1 : i32
    %c0_i32 = arith.constant 0 : i32
    %c0_i32_1 = arith.constant 0 : i32
    return %arg0, %c0_i32, %add3A_0 : i32, i32, i32
  }
  func.func @transform_13(%arg0: i32, %arg1: i32) -> (i32, i32, i32) {
    %c0_i32 = arith.constant 0 : i32
    %c0_i32_0 = arith.constant 0 : i32
    return %arg0, %arg1, %c0_i32 : i32, i32, i32
  }
  func.func @transform_14(%arg0: i32, %arg1: i32) -> (i32, i32, i32) {
    %c1_i32 = arith.constant 1 : i32
    %c0_i32 = arith.constant 0 : i32
    return %arg0, %arg1, %c1_i32 : i32, i32, i32
  }
  func.func @transform_15(%arg0: i32, %arg1: i32) -> (i32, i32, i32) {
    %c2_i32 = arith.constant 2 : i32
    %c0_i32 = arith.constant 0 : i32
    return %arg0, %arg1, %c2_i32 : i32, i32, i32
  }
  func.func @transform_16(%arg0: i32, %arg1: i32) -> (i32, i32, i32) {
    %c3_i32 = arith.constant 3 : i32
    %c0_i32 = arith.constant 0 : i32
    return %arg0, %arg1, %c3_i32 : i32, i32, i32
  }
  func.func @transform_17(%arg0: i32, %arg1: i32) -> (i32, i32, i32) {
    %c0_i32 = arith.constant 0 : i32
    %c0_i32_0 = arith.constant 0 : i32
    %c0_i32_1 = arith.constant 0 : i32
    return %arg0, %c0_i32, %c0_i32_0 : i32, i32, i32
  }
  func.func @transform_18(%arg0: i32, %arg1: i32) -> (i32, i32) {
    %c0_i32 = arith.constant 0 : i32
    %c0_i32_0 = arith.constant 0 : i32
    %c0_i32_1 = arith.constant 0 : i32
    return %c0_i32, %c0_i32_0 : i32, i32
  }
}

</mosaic_0001>

<sc_bundles>
// kernel: kernel.4.cloned.1.call-start
scs
__scs_entry_jumppad:
0x0: {  	(pc) =	sbr.rel $0x88, $3  }
0x1: {  	(tag) =	ssettag $0x0;
	lr =	simm.s32 $0x1  }
0x2: {  	[smem:$0x3F98] =	sst lr;
	_ =	strace $0xD0000000  }
0x3: {  	_ = 	snop  }
0x4: {  	_ = 	snop  }
0x5: {  	_ = 	snop  }
0x6: {  	_ = 	snop  }
0x7: {  	_ = 	snop  }
__scs_overlays_trampoline_lowered:
0x8: {  	[smem:$0x3FA7] =	sst s0  }
0x9: {  	[smem:$0x3FA8] =	sst s1  }
0xa: {  	[smem:$0x3FA9] =	sst s2  }
0xb: {  	[smem:$0x3FAA] =	sst s3  }
0xc: {  	[smem:$0x3FAB] =	sst s4  }
0xd: {  	[smem:$0x3FAC] =	sst s5  }
0xe: {  	[smem:$0x3FAD] =	sst s6  }
0xf: {  	[smem:$0x3FAE] =	sst s7  }
0x10: {  	[smem:$0x3FAF] =	sst s8  }
0x11: {  	[smem:$0x3FB0] =	sst s9;
	s0 =	simm.s32 @!p0 $0x0  }
0x12: {  	s1 =	sld [smem:$0x3F96];
	s0 =	simm.s32 @p0 $0x1  }
0x13: {  	[smem:$0x3FB1] =	sst s0;
	s0 =	simm.s32 @!p1 $0x0  }
0x14: {  	s2 =	sld [smem:$0x3F95];
	s0 =	simm.s32 @p1 $0x1  }
0x15: {  	[smem:$0x3FB2] =	sst s0;
	s0 =	simm.s32 @!p2 $0x0  }
0x16: {  	s3 =	sld [smem:$0x3FDB];
	s0 =	simm.s32 @p2 $0x1  }
0x17: {  	s4 =	simm.s32 $0x1BF5;
	[smem:$0x3FB4] =	sst s0  }
0x18: {  	s0 =	sld [smem:$0x3F97];
	_ =	swait.ge [sflag:s4], $0x0  }
0x19: {  	s7 =	sld [smem:$0x3F98]  }
0x1a: {  	s8 =	sadd.s32 $0xFFFFE003, lr  }
0x1b: {  	s9 =	sadd.s32 $0xFFFFFEF7, lr;
	s5 =	simm.s32 $0xFFFFFFFF;
	p2 =	slt.u32 s8, $0xFFFFF086  }
0x1c: {  	p1 =	slt.u32 s9, $0xF7A;
	s5 =	simm.s32 @!p2 $0x0  }
0x1d: {  	s5 =	simm.s32 @p1 $0x1;
	p0 =	seq.s32 s7, s2  }
0x1e: {  	s7 =	smul.u32 @!p0 $0xF7A, s2;
	p2 =	seq.s32 @!p0 s5, $0x0  }
0x1f: {  	s9 =	smul.u32 $0xF7A, s1;
	s8 =	simm.s32 @!p0 $0x1BF5;
	p2 =	por !p2, p0  }
0x20: {  	[sflag:s8] =	ssyncset.s32 @!p0 $0xFFFFF086;
	s6 =	sadd.s32 @!p0 s3, s7;
	s7 =	simm.s32 @!p0 $0x108  }
0x21: {  	s3 =	sadd.s32 s3, s9;
	s6 =	sadd.s32 @!p0 $0x88, s6;
	s7 =	simm.s32 @p2 $0x1082  }
0x22: {  	[simem:s7], [sflag:s8] =	dma.local @!p0 [hbm:s6], $0xF7A  }
0x23: {  	s9 =	sor.u32 $0xD0000000, s2;
	s6 =	simm.s32 $0x108;
	_ =	swait.ge @!p0 [sflag:s8], $0x0  }
0x24: {  	s3 =	sadd.s32 $0x88, s3;
	s6 =	simm.s32 @!p1 $0x1082;
	[sflag:s4] =	ssyncset.s32 $0xFFFFF086  }
0x25: {  	[simem:s6], [sflag:s4] =	dma.local [hbm:s3], $0xF7A  }
0x26: {  	[smem:$0x3F98] =	sst s1;
	(tag) =	ssettag s2;
	_ =	strace s9  }
0x27: {  	s1 =	sld [smem:$0x3FA8]  }
0x28: {  	s2 =	sld [smem:$0x3FA9]  }
0x29: {  	s4 =	sld [smem:$0x3FAB]  }
0x2a: {  	p0 =	seq.s32 s5, $0x0;
	s5 =	sld [smem:$0x3FAC]  }
0x2b: {  	s6 =	sld [smem:$0x3FAD]  }
0x2c: {  	s7 =	sld [smem:$0x3FAE]  }
0x2d: {  	s3 =	simm.s32 $0x108;
	s8 =	sld [smem:$0x3FAF]  }
0x2e: {  	s3 =	simm.s32 @!p0 $0x1082;
	s9 =	sld [smem:$0x3FB0]  }
0x2f: {  	lr =	sadd.s32 s0, s3;
	s0 =	sld [smem:$0x3FA7]  }
0x30: {  	s3 =	sld [smem:$0x3FAA]  }
0x31: {  	[smem:$0x3FB3] =	sst s10  }
0x32: {  	s10 =	sld [smem:$0x3FB1];
	_ =	sdelay $0x3  }
0x33: {  	p0 =	seq.s32 s10, $0x1;
	s10 =	sld [smem:$0x3FB3];
	_ =	sdelay $0x3  }
0x34: {  	[smem:$0x3FB3] =	sst s10  }
0x35: {  	s10 =	sld [smem:$0x3FB2];
	_ =	sdelay $0x3  }
0x36: {  	p1 =	seq.s32 s10, $0x1;
	s10 =	sld [smem:$0x3FB3];
	_ =	sdelay $0x3  }
0x37: {  	[smem:$0x3FB3] =	sst s10  }
0x38: {  	s10 =	sld [smem:$0x3FB4]  }
0x39: {  	_ = 	snop;
	(pc) =	sbr.ind lr, $3  }
0x3a: {  	_ = 	snop  }
0x3b: {  	_ = 	snop  }
0x3c: {  	p2 =	seq.s32 s10, $0x1;
	s10 =	sld [smem:$0x3FB3]  }
0x3d: {  	_ =	shalt  }
0x3e: {  	_ =	shalt  }
0x3f: {  	_ =	shalt  }
0x40: {  	_ =	shalt  }
0x41: {  	_ =	shalt  }
0x42: {  	_ =	shalt  }
0x43: {  	_ =	shalt  }
0x44: {  	_ =	shalt  }
0x45: {  	_ =	shalt  }
0x46: {  	_ =	shalt  }
0x47: {  	_ =	shalt  }
0x48: {  	_ =	shalt  }
0x49: {  	_ =	shalt  }
0x4a: {  	_ =	shalt  }
0x4b: {  	_ =	shalt  }
0x4c: {  	_ =	shalt  }
0x4d: {  	_ =	shalt  }
0x4e: {  	_ =	shalt  }
0x4f: {  	_ =	shalt  }
0x50: {  	_ =	shalt  }
0x51: {  	_ =	shalt  }
0x52: {  	_ =	shalt  }
0x53: {  	_ =	shalt  }
0x54: {  	_ =	shalt  }
0x55: {  	_ =	shalt  }
0x56: {  	_ =	shalt  }
0x57: {  	_ =	shalt  }
0x58: {  	_ =	shalt  }
0x59: {  	_ =	shalt  }
0x5a: {  	_ =	shalt  }
0x5b: {  	_ =	shalt  }
0x5c: {  	_ =	shalt  }
0x5d: {  	_ =	shalt  }
0x5e: {  	_ =	shalt  }
0x5f: {  	_ =	shalt  }
0x60: {  	_ =	shalt  }
0x61: {  	_ =	shalt  }
0x62: {  	_ =	shalt  }
0x63: {  	_ =	shalt  }
0x64: {  	_ =	shalt  }
0x65: {  	_ =	shalt  }
0x66: {  	_ =	shalt  }
0x67: {  	_ =	shalt  }
0x68: {  	_ =	shalt  }
0x69: {  	_ =	shalt  }
0x6a: {  	_ =	shalt  }
0x6b: {  	_ =	shalt  }
0x6c: {  	_ =	shalt  }
0x6d: {  	_ =	shalt  }
0x6e: {  	_ =	shalt  }
0x6f: {  	_ =	shalt  }
0x70: {  	_ =	shalt  }
0x71: {  	_ =	shalt  }
0x72: {  	_ =	shalt  }
0x73: {  	_ =	shalt  }
0x74: {  	_ =	shalt  }
0x75: {  	_ =	shalt  }
0x76: {  	_ =	shalt  }
0x77: {  	_ =	shalt  }
0x78: {  	_ =	shalt  }
0x79: {  	_ =	shalt  }
0x7a: {  	_ =	shalt  }
0x7b: {  	_ =	shalt  }
0x7c: {  	_ =	shalt  }
0x7d: {  	_ =	shalt  }
0x7e: {  	_ =	shalt  }
0x7f: {  	_ =	shalt  }
0x80: {  	_ =	shalt  }
0x81: {  	_ =	shalt  }
0x82: {  	_ =	shalt  }
0x83: {  	_ =	shalt  }
0x84: {  	_ =	shalt  }
0x85: {  	_ =	shalt  }
0x86: {  	_ =	shalt  }
0x87: {  	_ =	shalt  }
.Lfunc_end0:
.L_simem_size_0:
called_computation_lowered:
.L_overlay_start_0:
0x88: {  	s2 =	sld [smem:$0x3FD9]  }
0x89: {  	s3 =	sld [smem:$0x3FFE];
	_ =	sdelay $0x1  }
0x8a: {  	s1 =	srdreg.scid  }
0x8b: {  	s0 =	sand.u32 $0x1, s1  }
0x8c: {  	s17 =	sshll.u32 s0, $0xA;
	s2 =	sadd.s32 s3, s2  }
0x8d: {  	s2 =	sadd.s32 s2, s17  }
0x8e: {  	[smem:$0x3FBF] =	sst s2  }
0x8f: {  	_ = 	snop  }
0x90: {  	s2 =	sld [smem:$0x3FD0];
	(tm) =	ssettm $0x1  }
0x91: {  	s18 =	sld [smem:$0x3FFB];
	_ =	sdelay $0x3  }
0x92: {  	_ =	strace s18  }
0x93: {  	s3 =	sld [smem:$0x3FFC];
	_ =	sdelay $0x3  }
0x94: {  	_ =	strace s3  }
0x95: {  	s3 =	sld [smem:$0x3FFD];
	_ =	sdelay $0x3  }
0x96: {  	_ =	strace s3  }
0x97: {  	_ =	strace $0x8FFFFFFF  }
0x98: {  	s19 =	sld [smem:$0x3FDB];
	_ =	sdelay $0x1  }
0x99: {  	s4 =	simm.s32 $_scs_section_size  }
0x9a: {  	s5 =	simm.s32 $_size__tile_overlayer_lowered;
	s6 =	simm.s32 $_tile_overlayer_lowered  }
0x9b: {  	s22 =	simm.s32 $0x1BFF;
	s21 =	sshll.u32 s6, $0x1;
	s3 =	sadd.s32 s4, s19  }
0x9c: {  	s7 =	simm.s32 $0x0;
	s20 =	sshll.u32 s5, $0x1;
	s5 =	sadd.s32 s21, s3  }
0x9d: {  	[timem:s7], [sflag:s22] =	dma.local [hbm:s5], s20  }
0x9e: {  	_ =	swait.ge [sflag:s22], s20  }
0x9f: {  	s4 =	ssub.s32 $0x0, s20;
	[sflag:s22] =	ssyncset.done $0x0  }
0xa0: {  	[sflag:s22] =	ssyncadd.s32 s4;
	_ =	sdelay $0x1  }
0xa1: {  	s23 =	simm.s32 $0x1B8B  }
0xa2: {  	_ =	swait.ge [sflag:s23], $0x1  }
0xa3: {  	[sflag:s23] =	ssyncset.done $0x0  }
0xa4: {  	s25 =	simm.s32 $0x1B8E;
	s24 =	sld [smem:$0x3FFE];
	[sflag:s23] =	ssyncadd.s32 $0xFFFFFFFF  }
0xa5: {  	s26 =	simm.s32 $execute0_lowered;
	[smem:$0x3FD2] =	sst s25  }
0xa6: {  	s5 =	sshll.u32 s26, $0x1;
	_ =	strace $0x80000046;
	[dreg:$0x1] =	wrdreg $0xFFFFFFFF  }
0xa7: {  	s28 =	simm.s32 $_size_execute0_lowered;
	s3 =	sadd.s32 s3, s5;
	[dreg:$0x0] =	wrdreg $0x0  }
0xa8: {  	s5 =	sshll.u32 s28, $0x1;
	[dreg:$0x2] =	wrdreg s3  }
0xa9: {  	[dreg:$0x3] =	wrdreg s5  }
0xaa: {  	[dreg:$0x4] =	wrdreg $0xC0  }
0xab: {  	_ =	task [dreg:s7], $0x5FFFF  }
0xac: {  	[dreg:$0x1] =	wrdreg $0xFFFFFFFF  }
0xad: {  	[dreg:$0x0] =	wrdreg $0x60  }
0xae: {  	[dreg:$0x2] =	wrdreg s2  }
0xaf: {  	[dreg:$0x3] =	wrdreg s24  }
0xb0: {  	[dreg:$0x4] =	wrdreg $0x9  }
0xb1: {  	_ =	task.clear_ibuf [dreg:s7], $0x5FFFF;
	_ =	strace $0x90000046  }
0xb2: {  	s29 =	simm.s32 $0x9;
	_ =	strace $0x80000048  }
0xb3: {  	_ =	swait.ge [sflag:s29], $0x1  }
0xb4: {  	[sflag:s29] =	ssyncadd.s32 $0xFFFFFFFF  }
0xb5: {  	_ =	strace $0x90000048  }
0xb6: {  	_ =	sfence  }
0xb7: {  	s30 =	sld [smem:$0x0];
	_ =	sdelay $0x2  }
0xb8: {  	s31 =	sshll.u32 s1, $0xD;
	s1 =	sshrl.u32 s1, $0x2  }
0xb9: {  	s3 =	sand.u32 $0x4000, s31;
	s1 =	sadd.s32 s1, s30  }
0xba: {  	s0 =	sor.u32 s3, s0;
	s1 =	sshll.u32 s1, $0x11  }
0xbb: {  	s0 =	sor.u32 s1, s0  }
0xbc: {  	s0 =	sadd.s32 $0x8F2B, s0  }
0xbd: {  	[sflag:s0] =	ssyncadd.remote.s32 $0x1  }
0xbe: {  	_ =	sfence.sel $0xFFFF  }
0xbf: {  	[dreg:$0x0] =	wrdreg $0xFFFFFFFF;
	(pc) =	sbr.abs _section_cstart, $3  }
0xc0: {  	[dreg:$0x1] =	wrdreg $0xFFFFFFFF  }
0xc1: {  	_ =	task.clear_ibuf [dreg:s7], $0x2FFFF;
	_ =	strace $0x9FFFFFFF  }
0xc2: {  	(tm) =	ssettm $0x7FFFFFFF  }
0xc3: {  	_ =	shalt  }
tec
execute0_lowered:
.L_overlay_start_1:
0x0: {  	(tag) =	ssettag $0x1  }
0x1: {  	s1 =	stileid.u32  }
0x2: {  	p0 =	sgt.u32 s1, $0x3  }
.Ltmp0:
0x3: {  	_ = 	snop;
	(pc) =	sbr.rel @p0 .LBB2_3-.Ltmp0, $4  }
0x4: {  	s13 =	rddreg [dreg:$0x0]  }
0x5: {  	s3 =	rddreg [dreg:$0x1];
	s2 =	simm.s32 $0x0  }
0x6: {  	[smem:$0x7FF] =	sst s2  }
0x7: {  	s0 =	rddreg [dreg:$0x2];
	_ =	strace $0x80000047  }
0x8: {  	s4 =	srdreg.scid  }
0x9: {  	s31 =	sshll.u32 s1, $0x1;
	s9 =	sand.u32 $0x1, s4  }
0xa: {  	s17 =	simm.s32 $0x100;
	s18 =	simm.s32 $0x180;
	s4 =	sor.u32 s9, s31  }
0xb: {  	s15 =	ssub.s32 $0x2, s9;
	s14 =	sshll.u32 s4, $0x4;
	s4 =	sshll.u32 s4, $0x1  }
0xc: {  	s16 =	sshrl.u32 s15, $0x1;
	s5 =	sadd.s32 s14, s3;
	s12 =	sadd.s32 s4, s3  }
0xd: {  	s15 =	ssub.s32 s15, s16;
	s13 =	sadd.s32 s13, s14;
	s16 =	simm.s32 $0x80  }
0xe: {  	s3 =	sadd.s32 $0x800, s5;
	s4 =	sadd.s32 $0x600, s12;
	s5 =	sadd.s32 $0xA00, s12  }
0xf: {  	s6 =	sadd.s32 $0xA10, s12;
	s7 =	sadd.s32 $0xA20, s12;
	s8 =	sadd.s32 $0xA30, s12  }
0x10: {  	s9 =	sadd.s32 $0xA40, s12;
	s10 =	sadd.s32 $0xA50, s12;
	s11 =	sadd.s32 $0xA60, s12  }
0x11: {  	s12 =	sadd.s32 $0xA70, s12;
	s14 =	smax.u32 s15, $0x1;
	s15 =	simm.s32 $0x1  }
.LBB2_2:
0x12: {  	[tilespmem:s2], [sflag:$0x1] =	stream.linear.gather [hbm4b:s13+s2], $0x80, $0x38;
	[tilespmem:$0x200] =	vst v63  }
0x13: {  	_ =	swait.ge [sflag:s15], $0x80  }
0x14: {  	[sflag:s15] =	ssyncset.done $0x0  }
0x15: {  	[sflag:s15] =	ssyncadd.s32 $0xFFFFFF80  }
0x16: {  	[tilespmem:s16], [sflag:$0x1] =	stream.linear.gather [hbm4b:s3+s2], $0x80, $0x38;
	[tilespmem:$0x200] =	vst v63  }
0x17: {  	_ =	swait.ge [sflag:s15], $0x80  }
0x18: {  	[sflag:s15] =	ssyncset.done $0x0  }
0x19: {  	[sflag:s15] =	ssyncadd.s32 $0xFFFFFF80  }
0x1a: {  	[tilespmem:s17], [sflag:$0x1] =	stream.linear.gather [hbm4b:s4+s2], $0x10, $0x38;
	[tilespmem:$0x200] =	vst v63  }
0x1b: {  	_ =	swait.ge [sflag:s15], $0x10  }
0x1c: {  	[sflag:s15] =	ssyncset.done $0x0  }
0x1d: {  	[sflag:s15] =	ssyncadd.s32 $0xFFFFFFF0  }
0x1e: {  	v0 =	vld [tilespmem:$0x0]  }
0x1f: {  	v1 =	vld [tilespmem:$0x80]  }
0x20: {  	v2 =	vld [tilespmem:$0x10]  }
0x21: {  	v3 =	vld [tilespmem:$0x90]  }
0x22: {  	v4 =	vld [tilespmem:$0x20]  }
0x23: {  	v5 =	vld [tilespmem:$0xA0]  }
0x24: {  	v6 =	vld [tilespmem:$0x30];
	v1 =	vadd.f32 $0.0e+00, v1  }
0x25: {  	v47 =	vld [tilespmem:$0xB0];
	vm0 =	veq.s32 v0, $0x0;
	vm1 =	veq.s32 v2, $0x0  }
0x26: {  	v48 =	vld [tilespmem:$0x40];
	v2 =	vnsel vm1, $0x0, v3;
	v1 =	vnsel vm0, $0x0, v1  }
0x27: {  	v49 =	vld [tilespmem:$0xC0];
	vm14 =	veq.s32 v4, $0x0;
	v1 =	vadd.f32 v2, v1  }
0x28: {  	v50 =	vld [tilespmem:$0x50];
	v4 =	vnsel vm14, $0x0, v5  }
0x29: {  	v51 =	vld [tilespmem:$0xD0];
	vm15 =	veq.s32 v6, $0x0;
	v1 =	vadd.f32 v4, v1  }
0x2a: {  	v52 =	vld [tilespmem:$0x60];
	v0 =	vnsel vm15, $0x0, v47  }
0x2b: {  	v53 =	vld [tilespmem:$0xE0];
	vm4 =	veq.s32 v48, $0x0;
	v0 =	vadd.f32 v0, v1  }
0x2c: {  	v54 =	vld [tilespmem:$0x70];
	v2 =	vnsel vm4, $0x0, v49  }
0x2d: {  	v55 =	vld [tilespmem:$0xF0];
	vm5 =	veq.s32 v50, $0x0;
	v0 =	vadd.f32 v2, v0  }
0x2e: {  	v4 =	vnsel vm5, $0x0, v51  }
0x2f: {  	vm6 =	veq.s32 v52, $0x0;
	v4 =	vadd.f32 v4, v0  }
0x30: {  	v1 =	vnsel vm6, $0x0, v53;
	v0 =	vld [tilespmem:$0x100]  }
0x31: {  	vm7 =	veq.s32 v54, $0x0;
	v1 =	vadd.f32 v1, v4  }
0x32: {  	v2 =	vnsel vm7, $0x0, v55  }
0x33: {  	v1 =	vadd.f32 v2, v1;
	_ =	sdelay $0x1  }
0x34: {  	v1 =	vmul.f32 v1, v0;
	_ =	sdelay $0x1  }
0x35: {  	[tilespmem:$0x180] =	vst v1  }
0x36: {  	[hbm4b:s5+s2] =	stream.linear.scatter [tilespmem:s18], [sflag:$0x1], $0x10, $0x38;
	[tilespmem:$0x200] =	vst v63  }
0x37: {  	_ =	swait.ge [sflag:s15], $0x10  }
0x38: {  	[sflag:s15] =	ssyncset.done $0x0  }
0x39: {  	[sflag:s15] =	ssyncadd.s32 $0xFFFFFFF0  }
0x3a: {  	v56 =	vld [tilespmem:$0x0]  }
0x3b: {  	v57 =	vld [tilespmem:$0x80]  }
0x3c: {  	v58 =	vld [tilespmem:$0x10]  }
0x3d: {  	v59 =	vld [tilespmem:$0x90]  }
0x3e: {  	v60 =	vld [tilespmem:$0x20]  }
0x3f: {  	v61 =	vld [tilespmem:$0xA0]  }
0x40: {  	v7 =	vld [tilespmem:$0x30];
	v2 =	vadd.f32 $0.0e+00, v57  }
0x41: {  	v62 =	vld [tilespmem:$0xB0];
	vm8 =	veq.s32 v56, $0x1;
	vm9 =	veq.s32 v58, $0x1  }
0x42: {  	v63 =	vld [tilespmem:$0x40];
	v3 =	vnsel vm9, $0x0, v59;
	v2 =	vnsel vm8, $0x0, v2  }
0x43: {  	v9 =	vld [tilespmem:$0xC0];
	vm10 =	veq.s32 v60, $0x1;
	v2 =	vadd.f32 v3, v2  }
0x44: {  	v10 =	vld [tilespmem:$0x50];
	v5 =	vnsel vm10, $0x0, v61  }
0x45: {  	v11 =	vld [tilespmem:$0xD0];
	vm11 =	veq.s32 v7, $0x1;
	v2 =	vadd.f32 v5, v2  }
0x46: {  	v12 =	vld [tilespmem:$0x60];
	v1 =	vnsel vm11, $0x0, v62  }
0x47: {  	v13 =	vld [tilespmem:$0xE0];
	vm12 =	veq.s32 v63, $0x1;
	v1 =	vadd.f32 v1, v2  }
0x48: {  	v14 =	vld [tilespmem:$0x70];
	v3 =	vnsel vm12, $0x0, v9  }
0x49: {  	v15 =	vld [tilespmem:$0xF0];
	vm13 =	veq.s32 v10, $0x1;
	v1 =	vadd.f32 v3, v1  }
0x4a: {  	v5 =	vnsel vm13, $0x0, v11  }
0x4b: {  	vm14 =	veq.s32 v12, $0x1;
	v1 =	vadd.f32 v5, v1  }
0x4c: {  	v2 =	vnsel vm14, $0x0, v13  }
0x4d: {  	vm15 =	veq.s32 v14, $0x1;
	v1 =	vadd.f32 v2, v1  }
0x4e: {  	v16 =	vnsel vm15, $0x0, v15  }
0x4f: {  	v1 =	vadd.f32 v16, v1;
	_ =	sdelay $0x1  }
0x50: {  	v1 =	vmul.f32 v1, v0;
	_ =	sdelay $0x1  }
0x51: {  	[tilespmem:$0x180] =	vst v1  }
0x52: {  	[hbm4b:s6+s2] =	stream.linear.scatter [tilespmem:s18], [sflag:$0x1], $0x10, $0x38;
	[tilespmem:$0x200] =	vst v63  }
0x53: {  	_ =	swait.ge [sflag:s15], $0x10  }
0x54: {  	[sflag:s15] =	ssyncset.done $0x0  }
0x55: {  	[sflag:s15] =	ssyncadd.s32 $0xFFFFFFF0  }
0x56: {  	v17 =	vld [tilespmem:$0x0]  }
0x57: {  	v18 =	vld [tilespmem:$0x80]  }
0x58: {  	v19 =	vld [tilespmem:$0x10]  }
0x59: {  	v20 =	vld [tilespmem:$0x90]  }
0x5a: {  	v21 =	vld [tilespmem:$0x20]  }
0x5b: {  	v22 =	vld [tilespmem:$0xA0]  }
0x5c: {  	v23 =	vld [tilespmem:$0x30];
	v2 =	vadd.f32 $0.0e+00, v18  }
0x5d: {  	v24 =	vld [tilespmem:$0xB0];
	vm4 =	veq.s32 v17, $0x2;
	vm5 =	veq.s32 v19, $0x2  }
0x5e: {  	v25 =	vld [tilespmem:$0x40];
	v3 =	vnsel vm5, $0x0, v20;
	v2 =	vnsel vm4, $0x0, v2  }
0x5f: {  	v26 =	vld [tilespmem:$0xC0];
	vm6 =	veq.s32 v21, $0x2;
	v2 =	vadd.f32 v3, v2  }
0x60: {  	v27 =	vld [tilespmem:$0x50];
	v5 =	vnsel vm6, $0x0, v22  }
0x61: {  	v28 =	vld [tilespmem:$0xD0];
	vm7 =	veq.s32 v23, $0x2;
	v2 =	vadd.f32 v5, v2  }
0x62: {  	v29 =	vld [tilespmem:$0x60];
	v1 =	vnsel vm7, $0x0, v24  }
0x63: {  	v30 =	vld [tilespmem:$0xE0];
	vm8 =	veq.s32 v25, $0x2;
	v1 =	vadd.f32 v1, v2  }
0x64: {  	v31 =	vld [tilespmem:$0x70];
	v3 =	vnsel vm8, $0x0, v26  }
0x65: {  	v32 =	vld [tilespmem:$0xF0];
	vm9 =	veq.s32 v27, $0x2;
	v1 =	vadd.f32 v3, v1  }
0x66: {  	v5 =	vnsel vm9, $0x0, v28  }
0x67: {  	vm10 =	veq.s32 v29, $0x2;
	v1 =	vadd.f32 v5, v1  }
0x68: {  	v2 =	vnsel vm10, $0x0, v30  }
0x69: {  	vm11 =	veq.s32 v31, $0x2;
	v1 =	vadd.f32 v2, v1  }
0x6a: {  	v33 =	vnsel vm11, $0x0, v32  }
0x6b: {  	v1 =	vadd.f32 v33, v1;
	_ =	sdelay $0x1  }
0x6c: {  	v1 =	vmul.f32 v1, v0;
	_ =	sdelay $0x1  }
0x6d: {  	[tilespmem:$0x180] =	vst v1  }
0x6e: {  	[hbm4b:s7+s2] =	stream.linear.scatter [tilespmem:s18], [sflag:$0x1], $0x10, $0x38;
	[tilespmem:$0x200] =	vst v63  }
0x6f: {  	_ =	swait.ge [sflag:s15], $0x10  }
0x70: {  	[sflag:s15] =	ssyncset.done $0x0  }
0x71: {  	[sflag:s15] =	ssyncadd.s32 $0xFFFFFFF0  }
0x72: {  	v34 =	vld [tilespmem:$0x0]  }
0x73: {  	v35 =	vld [tilespmem:$0x80]  }
0x74: {  	v36 =	vld [tilespmem:$0x10]  }
0x75: {  	v37 =	vld [tilespmem:$0x90]  }
0x76: {  	v38 =	vld [tilespmem:$0x20]  }
0x77: {  	v39 =	vld [tilespmem:$0xA0]  }
0x78: {  	v40 =	vld [tilespmem:$0x30];
	v2 =	vadd.f32 $0.0e+00, v35  }
0x79: {  	v41 =	vld [tilespmem:$0xB0];
	vm12 =	veq.s32 v34, $0x3;
	vm13 =	veq.s32 v36, $0x3  }
0x7a: {  	v42 =	vld [tilespmem:$0x40];
	v3 =	vnsel vm13, $0x0, v37;
	v2 =	vnsel vm12, $0x0, v2  }
0x7b: {  	v43 =	vld [tilespmem:$0xC0];
	vm14 =	veq.s32 v38, $0x3;
	v2 =	vadd.f32 v3, v2  }
0x7c: {  	v44 =	vld [tilespmem:$0x50];
	v5 =	vnsel vm14, $0x0, v39  }
0x7d: {  	v45 =	vld [tilespmem:$0xD0];
	vm15 =	veq.s32 v40, $0x3;
	v2 =	vadd.f32 v5, v2  }
0x7e: {  	v46 =	vld [tilespmem:$0x60];
	v1 =	vnsel vm15, $0x0, v41  }
0x7f: {  	v47 =	vld [tilespmem:$0xE0];
	vm4 =	veq.s32 v42, $0x3;
	v1 =	vadd.f32 v1, v2  }
0x80: {  	v48 =	vld [tilespmem:$0x70];
	v3 =	vnsel vm4, $0x0, v43  }
0x81: {  	v49 =	vld [tilespmem:$0xF0];
	vm5 =	veq.s32 v44, $0x3;
	v1 =	vadd.f32 v3, v1  }
0x82: {  	v5 =	vnsel vm5, $0x0, v45  }
0x83: {  	vm6 =	veq.s32 v46, $0x3;
	v1 =	vadd.f32 v5, v1  }
0x84: {  	v2 =	vnsel vm6, $0x0, v47  }
0x85: {  	vm7 =	veq.s32 v48, $0x3;
	v1 =	vadd.f32 v2, v1  }
0x86: {  	v50 =	vnsel vm7, $0x0, v49  }
0x87: {  	v1 =	vadd.f32 v50, v1;
	_ =	sdelay $0x1  }
0x88: {  	v1 =	vmul.f32 v1, v0;
	_ =	sdelay $0x1  }
0x89: {  	[tilespmem:$0x180] =	vst v1  }
0x8a: {  	[hbm4b:s8+s2] =	stream.linear.scatter [tilespmem:s18], [sflag:$0x1], $0x10, $0x38;
	[tilespmem:$0x200] =	vst v63  }
0x8b: {  	_ =	swait.ge [sflag:s15], $0x10  }
0x8c: {  	[sflag:s15] =	ssyncset.done $0x0  }
0x8d: {  	[sflag:s15] =	ssyncadd.s32 $0xFFFFFFF0  }
0x8e: {  	v51 =	vld [tilespmem:$0x0]  }
0x8f: {  	v52 =	vld [tilespmem:$0x80]  }
0x90: {  	v53 =	vld [tilespmem:$0x10]  }
0x91: {  	v54 =	vld [tilespmem:$0x90]  }
0x92: {  	v55 =	vld [tilespmem:$0x20]  }
0x93: {  	v56 =	vld [tilespmem:$0xA0]  }
0x94: {  	v57 =	vld [tilespmem:$0x30];
	v2 =	vadd.f32 $0.0e+00, v52  }
0x95: {  	v58 =	vld [tilespmem:$0xB0];
	vm8 =	veq.s32 v51, $0x4;
	vm9 =	veq.s32 v53, $0x4  }
0x96: {  	v59 =	vld [tilespmem:$0x40];
	v3 =	vnsel vm9, $0x0, v54;
	v2 =	vnsel vm8, $0x0, v2  }
0x97: {  	v60 =	vld [tilespmem:$0xC0];
	vm10 =	veq.s32 v55, $0x4;
	v2 =	vadd.f32 v3, v2  }
0x98: {  	v61 =	vld [tilespmem:$0x50];
	v5 =	vnsel vm10, $0x0, v56  }
0x99: {  	v62 =	vld [tilespmem:$0xD0];
	vm11 =	veq.s32 v57, $0x4;
	v2 =	vadd.f32 v5, v2  }
0x9a: {  	v63 =	vld [tilespmem:$0x60];
	v1 =	vnsel vm11, $0x0, v58  }
0x9b: {  	v9 =	vld [tilespmem:$0xE0];
	vm12 =	veq.s32 v59, $0x4;
	v1 =	vadd.f32 v1, v2  }
0x9c: {  	v10 =	vld [tilespmem:$0x70];
	v3 =	vnsel vm12, $0x0, v60  }
0x9d: {  	v11 =	vld [tilespmem:$0xF0];
	vm13 =	veq.s32 v61, $0x4;
	v1 =	vadd.f32 v3, v1  }
0x9e: {  	v5 =	vnsel vm13, $0x0, v62  }
0x9f: {  	vm14 =	veq.s32 v63, $0x4;
	v1 =	vadd.f32 v5, v1  }
0xa0: {  	v2 =	vnsel vm14, $0x0, v9  }
0xa1: {  	vm15 =	veq.s32 v10, $0x4;
	v1 =	vadd.f32 v2, v1  }
0xa2: {  	v12 =	vnsel vm15, $0x0, v11  }
0xa3: {  	v1 =	vadd.f32 v12, v1;
	_ =	sdelay $0x1  }
0xa4: {  	v1 =	vmul.f32 v1, v0;
	_ =	sdelay $0x1  }
0xa5: {  	[tilespmem:$0x180] =	vst v1  }
0xa6: {  	[hbm4b:s9+s2] =	stream.linear.scatter [tilespmem:s18], [sflag:$0x1], $0x10, $0x38;
	[tilespmem:$0x200] =	vst v63  }
0xa7: {  	_ =	swait.ge [sflag:s15], $0x10  }
0xa8: {  	[sflag:s15] =	ssyncset.done $0x0  }
0xa9: {  	[sflag:s15] =	ssyncadd.s32 $0xFFFFFFF0  }
0xaa: {  	v13 =	vld [tilespmem:$0x0]  }
0xab: {  	v14 =	vld [tilespmem:$0x80]  }
0xac: {  	v15 =	vld [tilespmem:$0x10]  }
0xad: {  	v16 =	vld [tilespmem:$0x90]  }
0xae: {  	v17 =	vld [tilespmem:$0x20]  }
0xaf: {  	v18 =	vld [tilespmem:$0xA0]  }
0xb0: {  	v19 =	vld [tilespmem:$0x30];
	v2 =	vadd.f32 $0.0e+00, v14  }
0xb1: {  	v20 =	vld [tilespmem:$0xB0];
	vm4 =	veq.s32 v13, $0x5;
	vm5 =	veq.s32 v15, $0x5  }
0xb2: {  	v21 =	vld [tilespmem:$0x40];
	v3 =	vnsel vm5, $0x0, v16;
	v2 =	vnsel vm4, $0x0, v2  }
0xb3: {  	v22 =	vld [tilespmem:$0xC0];
	vm6 =	veq.s32 v17, $0x5;
	v2 =	vadd.f32 v3, v2  }
0xb4: {  	v23 =	vld [tilespmem:$0x50];
	v5 =	vnsel vm6, $0x0, v18  }
0xb5: {  	v24 =	vld [tilespmem:$0xD0];
	vm7 =	veq.s32 v19, $0x5;
	v2 =	vadd.f32 v5, v2  }
0xb6: {  	v25 =	vld [tilespmem:$0x60];
	v1 =	vnsel vm7, $0x0, v20  }
0xb7: {  	v26 =	vld [tilespmem:$0xE0];
	vm8 =	veq.s32 v21, $0x5;
	v1 =	vadd.f32 v1, v2  }
0xb8: {  	v27 =	vld [tilespmem:$0x70];
	v3 =	vnsel vm8, $0x0, v22  }
0xb9: {  	v28 =	vld [tilespmem:$0xF0];
	vm9 =	veq.s32 v23, $0x5;
	v1 =	vadd.f32 v3, v1  }
0xba: {  	v5 =	vnsel vm9, $0x0, v24  }
0xbb: {  	vm10 =	veq.s32 v25, $0x5;
	v1 =	vadd.f32 v5, v1  }
0xbc: {  	v2 =	vnsel vm10, $0x0, v26  }
0xbd: {  	vm11 =	veq.s32 v27, $0x5;
	v1 =	vadd.f32 v2, v1  }
0xbe: {  	v29 =	vnsel vm11, $0x0, v28  }
0xbf: {  	v1 =	vadd.f32 v29, v1;
	_ =	sdelay $0x1  }
0xc0: {  	v1 =	vmul.f32 v1, v0;
	_ =	sdelay $0x1  }
0xc1: {  	[tilespmem:$0x180] =	vst v1  }
0xc2: {  	[hbm4b:s10+s2] =	stream.linear.scatter [tilespmem:s18], [sflag:$0x1], $0x10, $0x38;
	[tilespmem:$0x200] =	vst v63  }
0xc3: {  	_ =	swait.ge [sflag:s15], $0x10  }
0xc4: {  	[sflag:s15] =	ssyncset.done $0x0  }
0xc5: {  	[sflag:s15] =	ssyncadd.s32 $0xFFFFFFF0  }
0xc6: {  	v30 =	vld [tilespmem:$0x0]  }
0xc7: {  	v31 =	vld [tilespmem:$0x80]  }
0xc8: {  	v32 =	vld [tilespmem:$0x10]  }
0xc9: {  	v33 =	vld [tilespmem:$0x90]  }
0xca: {  	v34 =	vld [tilespmem:$0x20]  }
0xcb: {  	v35 =	vld [tilespmem:$0xA0]  }
0xcc: {  	v36 =	vld [tilespmem:$0x30];
	v2 =	vadd.f32 $0.0e+00, v31  }
0xcd: {  	v37 =	vld [tilespmem:$0xB0];
	vm12 =	veq.s32 v30, $0x6;
	vm13 =	veq.s32 v32, $0x6  }
0xce: {  	v38 =	vld [tilespmem:$0x40];
	v3 =	vnsel vm13, $0x0, v33;
	v2 =	vnsel vm12, $0x0, v2  }
0xcf: {  	v39 =	vld [tilespmem:$0xC0];
	vm14 =	veq.s32 v34, $0x6;
	v2 =	vadd.f32 v3, v2  }
0xd0: {  	v40 =	vld [tilespmem:$0x50];
	v5 =	vnsel vm14, $0x0, v35  }
0xd1: {  	v41 =	vld [tilespmem:$0xD0];
	vm15 =	veq.s32 v36, $0x6;
	v2 =	vadd.f32 v5, v2  }
0xd2: {  	v42 =	vld [tilespmem:$0x60];
	v1 =	vnsel vm15, $0x0, v37  }
0xd3: {  	v43 =	vld [tilespmem:$0xE0];
	vm4 =	veq.s32 v38, $0x6;
	v1 =	vadd.f32 v1, v2  }
0xd4: {  	v44 =	vld [tilespmem:$0x70];
	v3 =	vnsel vm4, $0x0, v39  }
0xd5: {  	v45 =	vld [tilespmem:$0xF0];
	vm5 =	veq.s32 v40, $0x6;
	v1 =	vadd.f32 v3, v1  }
0xd6: {  	v5 =	vnsel vm5, $0x0, v41  }
0xd7: {  	vm6 =	veq.s32 v42, $0x6;
	v1 =	vadd.f32 v5, v1  }
0xd8: {  	v2 =	vnsel vm6, $0x0, v43  }
0xd9: {  	vm7 =	veq.s32 v44, $0x6;
	v1 =	vadd.f32 v2, v1  }
0xda: {  	v46 =	vnsel vm7, $0x0, v45  }
0xdb: {  	v1 =	vadd.f32 v46, v1;
	_ =	sdelay $0x1  }
0xdc: {  	v1 =	vmul.f32 v1, v0;
	_ =	sdelay $0x1  }
0xdd: {  	[tilespmem:$0x180] =	vst v1  }
0xde: {  	[hbm4b:s11+s2] =	stream.linear.scatter [tilespmem:s18], [sflag:$0x1], $0x10, $0x38;
	[tilespmem:$0x200] =	vst v63  }
0xdf: {  	_ =	swait.ge [sflag:s15], $0x10  }
0xe0: {  	[sflag:s15] =	ssyncset.done $0x0  }
0xe1: {  	[sflag:s15] =	ssyncadd.s32 $0xFFFFFFF0  }
0xe2: {  	v47 =	vld [tilespmem:$0x0]  }
0xe3: {  	v48 =	vld [tilespmem:$0x80]  }
0xe4: {  	v49 =	vld [tilespmem:$0x10]  }
0xe5: {  	v50 =	vld [tilespmem:$0x90]  }
0xe6: {  	v51 =	vld [tilespmem:$0x20]  }
0xe7: {  	v52 =	vld [tilespmem:$0xA0]  }
0xe8: {  	v53 =	vld [tilespmem:$0x30];
	v2 =	vadd.f32 $0.0e+00, v48  }
0xe9: {  	v54 =	vld [tilespmem:$0xB0];
	vm8 =	veq.s32 v47, $0x7;
	vm9 =	veq.s32 v49, $0x7  }
0xea: {  	v55 =	vld [tilespmem:$0x40];
	v3 =	vnsel vm9, $0x0, v50;
	v2 =	vnsel vm8, $0x0, v2  }
0xeb: {  	v56 =	vld [tilespmem:$0xC0];
	vm10 =	veq.s32 v51, $0x7;
	v2 =	vadd.f32 v3, v2  }
0xec: {  	v57 =	vld [tilespmem:$0x50];
	v5 =	vnsel vm10, $0x0, v52  }
0xed: {  	v58 =	vld [tilespmem:$0xD0];
	vm11 =	veq.s32 v53, $0x7;
	v2 =	vadd.f32 v5, v2  }
0xee: {  	v59 =	vld [tilespmem:$0x60];
	v1 =	vnsel vm11, $0x0, v54  }
0xef: {  	v60 =	vld [tilespmem:$0xE0];
	vm12 =	veq.s32 v55, $0x7;
	v1 =	vadd.f32 v1, v2  }
0xf0: {  	v61 =	vld [tilespmem:$0x70];
	v3 =	vnsel vm12, $0x0, v56  }
0xf1: {  	v62 =	vld [tilespmem:$0xF0];
	vm13 =	veq.s32 v57, $0x7;
	v1 =	vadd.f32 v3, v1  }
0xf2: {  	v5 =	vnsel vm13, $0x0, v58  }
0xf3: {  	vm14 =	veq.s32 v59, $0x7;
	v1 =	vadd.f32 v5, v1  }
0xf4: {  	v2 =	vnsel vm14, $0x0, v60  }
0xf5: {  	vm15 =	veq.s32 v61, $0x7;
	v1 =	vadd.f32 v2, v1  }
0xf6: {  	v63 =	vnsel vm15, $0x0, v62  }
0xf7: {  	v1 =	vadd.f32 v63, v1;
	_ =	sdelay $0x1  }
0xf8: {  	v0 =	vmul.f32 v1, v0  }
0xf9: {  	p0 =	sne.s32 s14, $0x1  }
.Ltmp1:
0xfa: {  	[tilespmem:$0x180] =	vst v0;
	(pc) =	sbr.rel @p0 .LBB2_2-.Ltmp1, $4  }
0xfb: {  	[hbm4b:s12+s2] =	stream.linear.scatter [tilespmem:s18], [sflag:$0x1], $0x10, $0x38;
	[tilespmem:$0x200] =	vst v63  }
0xfc: {  	_ =	swait.ge [sflag:s15], $0x10  }
0xfd: {  	[sflag:s15] =	ssyncset.done $0x0  }
0xfe: {  	s14 =	sadd.s32 $0xFFFFFFFF, s14;
	[sflag:s15] =	ssyncadd.s32 $0xFFFFFFF0  }
.LBB2_3:
0xff: {  	_ =	sfence.sel $0x180000  }
0x100: {  	[bflag:$0x0] =	sbarrier.arrive $0xFFFF  }
0x101: {  	p0 =	sne.s32 s1, $0x0;
	_ =	strace $0x90000047  }
0x102: {  	s0 =	sadd.s32 @!p0 $0x100000, s0;
	[bflag:$0x2] =	sbarrier.arrive $0xFFFF  }
0x103: {  	[sflag:s0] =	ssyncadd.tile.s32 @!p0 $0x1;
	_ =	shalt  }
.Lfunc_end2:
_tile_overlayer_lowered:
.L_overlay_start_2:
0x104: {  	(tag) =	ssettag $0x2  }
0x105: {  	s0 =	rddreg [dreg:$0x0];
	s2 =	stileid.u32  }
0x106: {  	s1 =	rddreg [dreg:$0x1];
	p0 =	sne.s32 s2, $0x0  }
0x107: {  	s3 =	rddreg [dreg:$0x2];
	[bflag:$0x3] =	sbarrier.arrive $0xFFFF;
	s2 =	simm.s32 @!p0 $0x1C01  }
0x108: {  	[timem:s3], [sflag:s2] =	dma.local @!p0 [hbm:s0], s1  }
0x109: {  	s0 =	simm.s32 @!p0 $0x1  }
0x10a: {  	_ =	swait.ge @!p0 [sflag:s0], s1  }
0x10b: {  	s1 =	ssub.s32 @!p0 $0x0, s1;
	[sflag:s0] =	ssyncset.done @!p0 $0x0  }
0x10c: {  	[sflag:s0] =	ssyncadd.s32 @!p0 s1  }
0x10d: {  	[bflag:$0x3] =	sbarrier.arrive $0xFFFF  }
0x10e: {  	_ =	shalt  }

</sc_bundles>
